<compile_context>
chip_gen: v7x
topology: tpu7x:2x2x1
jax: 0.10.2.dev20260603
libtpu: 0.0.44.dev20260713+nightly
codegen_flags: <defaults>
</compile_context>

<pallas_src>
import functools

import numpy as np
import jax
import jax.numpy as jnp
from jax import lax
from jax.experimental import pallas as pl
from jax.experimental.pallas import tpu as pltpu
from jax.experimental.pallas import tpu_sc as plsc

F = 26
D = 16
B = 16384
N = B * F
NC, NS = 2, 16
NW = NC * NS
PER_W = N // NW
IR = PER_W // 128
KP = 4
CHUNK = KP * 128
NCHUNK = PER_W // CHUNK

H0, H1, H2, H3 = 128, 64, 32, 1
BLK = 2048

_OFFS = np.arange(F, dtype=np.int32) * 100000

@functools.lru_cache(maxsize=None)
def _make_sc_gather():
    mesh = plsc.VectorSubcoreMesh(core_axis_name="c", subcore_axis_name="s")

    @functools.partial(
        pl.kernel,
        out_type=(
            jax.ShapeDtypeStruct((N, D), jnp.float32),
            jax.ShapeDtypeStruct((N,), jnp.float32),
        ),
        mesh=mesh,
        scratch_types=[
            pltpu.VMEM((IR, 128), jnp.int32),
            pltpu.VMEM((CHUNK, D), jnp.float32),
            pltpu.VMEM((CHUNK, D), jnp.float32),
            pltpu.VMEM((PER_W,), jnp.float32),
            pltpu.SemaphoreType.DMA,
            pltpu.SemaphoreType.DMA,
        ],
        compiler_params=pltpu.CompilerParams(use_tc_tiling_on_sc=False),
    )
    def _sc_gather(idx_hbm2, emb2_hbm, emb1_hbm, v_out, w_out,
                   idx_v, rows_a, rows_b, vals_v, sem2, sem1):
        wid = lax.axis_index("s") * NC + lax.axis_index("c")
        base_w = wid * PER_W

        pltpu.sync_copy(idx_hbm2.at[pl.ds(wid * IR, IR)], idx_v)

        def fire1(i, carry):
            for j in range(8):
                pltpu.async_copy(
                    emb1_hbm.at[idx_v.at[i * 8 + j]],
                    vals_v.at[pl.ds((i * 8 + j) * 128, 128)], sem1)
            return carry

        lax.fori_loop(0, IR // 8, fire1, 0)

        def fire2(r, buf):
            for j in range(KP):
                pltpu.async_copy(
                    emb2_hbm.at[idx_v.at[r * KP + j]],
                    buf.at[pl.ds(j * 128, 128)], sem2)

        def drain2(r, buf):
            for j in range(KP):
                pltpu.make_async_copy(
                    emb2_hbm.at[idx_v.at[r * KP + j]],
                    buf.at[pl.ds(j * 128, 128)], sem2).wait()

        fire2(0, rows_a)

        def round_pair(p, carry):
            r = p * 2
            fire2(r + 1, rows_b)
            drain2(r, rows_a)
            pltpu.sync_copy(rows_a, v_out.at[pl.ds(base_w + r * CHUNK, CHUNK)])

            @pl.when(p < NCHUNK // 2 - 1)
            def _():
                fire2(r + 2, rows_a)

            drain2(r + 1, rows_b)
            pltpu.sync_copy(rows_b, v_out.at[pl.ds(base_w + (r + 1) * CHUNK, CHUNK)])
            return carry

        lax.fori_loop(0, NCHUNK // 2, round_pair, 0)

        def drain1(i, carry):
            for j in range(8):
                pltpu.make_async_copy(
                    emb1_hbm.at[idx_v.at[i * 8 + j]],
                    vals_v.at[pl.ds((i * 8 + j) * 128, 128)], sem1).wait()
            return carry

        lax.fori_loop(0, IR // 8, drain1, 0)
        pltpu.sync_copy(vals_v, w_out.at[pl.ds(base_w, PER_W)])

    return _sc_gather


def _mlp_body(w_ref, v_ref, w0a, w0b, b0, w1, b1, w2, b2, w3, b3, o_ref):
    h = jnp.dot(w_ref[...], w0a[...], preferred_element_type=jnp.float32)
    h = h + jnp.dot(v_ref[...], w0b[...], preferred_element_type=jnp.float32)
    h = jnp.maximum(h + b0[...], 0.0)
    h = jnp.maximum(jnp.dot(h, w1[...], preferred_element_type=jnp.float32) + b1[...], 0.0)
    h = jnp.maximum(jnp.dot(h, w2[...], preferred_element_type=jnp.float32) + b2[...], 0.0)
    z = jnp.dot(h, w3[...], preferred_element_type=jnp.float32) + b3[...]
    o_ref[...] = 1.0 / (1.0 + jnp.exp(-z))


def _full(shape):
    return pl.BlockSpec(shape, lambda i: (0, 0))


def _mlp(w, v, W0a, W0b, b0, W1, b1, W2, b2, W3, b3):
    return pl.pallas_call(
        _mlp_body,
        grid=(B // BLK,),
        in_specs=[
            pl.BlockSpec((BLK, F), lambda i: (i, 0)),
            pl.BlockSpec((BLK, F * D), lambda i: (i, 0)),
            _full((F, H0)), _full((F * D, H0)), _full((1, H0)),
            _full((H0, H1)), _full((1, H1)),
            _full((H1, H2)), _full((1, H2)),
            _full((H2, H3)), _full((1, H3)),
        ],
        out_specs=pl.BlockSpec((BLK, 1), lambda i: (i, 0)),
        out_shape=jax.ShapeDtypeStruct((B, H3), jnp.float32),
    )(w, v, W0a, W0b, b0, W1, b1, W2, b2, W3, b3)


def kernel(x, emb1, emb2, Wm0, bm0, Wm1, bm1, Wm2, bm2, Wm3, bm3):
    idx = (x + jnp.asarray(_OFFS)[None, :]).reshape(-1)
    v_flat, w_flat = _make_sc_gather()(
        idx.reshape(N // 128, 128), emb2, emb1.reshape(-1))
    w = w_flat.reshape(B, F)
    v = v_flat.reshape(B, F * D)
    return _mlp(
        w, v, Wm0[:F], Wm0[F:], bm0.reshape(1, -1),
        Wm1, bm1.reshape(1, -1), Wm2, bm2.reshape(1, -1),
        Wm3, bm3.reshape(1, -1),
    )

# --- scband reference (transcript-rebuilt; emitter-appended) ---
"""Pipeline reference for scband-fnn-12025908428842 (READ-ONLY COPY).

The authoritative reference and input builder live on the scoring server;
editing this copy changes nothing except your own understanding.
"""

import jax, jax.numpy as jnp
import numpy as np

FIELD_DIMS = [100000] * 26
OFFSETS = jnp.asarray(np.concatenate([[0], np.cumsum(FIELD_DIMS)[:-1]]).astype(np.int32))
EMBED_DIM = 16
BATCH = 16384


def setup_inputs(seed: int = 0) -> dict:
    key = jax.random.key(seed)
    ks = jax.random.split(key, 12)
    total = int(sum(FIELD_DIMS))
    x = jax.random.randint(ks[0], (BATCH, 26), 0, 100000, dtype=jnp.int32)
    emb1 = jax.random.normal(ks[1], (total, 1), dtype=jnp.float32) * 0.01
    emb2 = jax.random.normal(ks[2], (total, EMBED_DIM), dtype=jnp.float32) * 0.01
    dims = [(EMBED_DIM + 1) * 26, 128, 64, 32, 1]
    params = {}
    for i in range(4):
        params[f"Wm{i}"] = jax.random.normal(ks[3 + i], (dims[i], dims[i + 1]), dtype=jnp.float32) * (1.0 / np.sqrt(dims[i]))
        params[f"bm{i}"] = jnp.zeros((dims[i + 1],), dtype=jnp.float32)
    return {"x": x, "emb1": emb1, "emb2": emb2, **params}


def reference(x, emb1, emb2, Wm0, bm0, Wm1, bm1, Wm2, bm2, Wm3, bm3):
    idx = x + OFFSETS[None, :]
    w = jnp.take(emb1, idx, axis=0).squeeze(-1)            # [B, 26] (embed1, dim=1)
    v = jnp.take(emb2, idx, axis=0).reshape(x.shape[0], -1)  # [B, 26*16]
    h = jnp.concatenate([w, v], axis=1)                    # hstack -> [B, (16+1)*26]
    h = jax.nn.relu(h @ Wm0 + bm0)
    h = jax.nn.relu(h @ Wm1 + bm1)
    h = jax.nn.relu(h @ Wm2 + bm2)
    out = h @ Wm3 + bm3
    return jax.nn.sigmoid(out)

if __name__ == "__main__":
    import jax
    _d = setup_inputs()
    print(jax.jit(kernel)(*tuple(_d.values())))

</pallas_src>

<mosaic_0001>
#map = affine_map<(d0, d1) -> (0, 0)>
#map1 = affine_map<(d0, d1) -> (0)>
module attributes {stable_mosaic.version = 14 : i64} {
  func.func @_sc_gather(%arg0: i32, %arg1: i32, %arg2: memref<3328x128xi32, #tpu.memory_space<hbm>>, %arg3: memref<2600000x16xf32, #tpu.memory_space<hbm>>, %arg4: memref<2600000xf32, #tpu.memory_space<hbm>>, %arg5: memref<425984x16xf32, #tpu.memory_space<hbm>>, %arg6: memref<425984xf32, #tpu.memory_space<hbm>>, %arg7: memref<104x128xi32, #tpu.memory_space<vmem>>, %arg8: memref<512x16xf32, #tpu.memory_space<vmem>>, %arg9: memref<512x16xf32, #tpu.memory_space<vmem>>, %arg10: memref<13312xf32, #tpu.memory_space<vmem>>, %arg11: memref<!tpu.dma_semaphore, #tpu.memory_space<semaphore_mem>>, %arg12: memref<!tpu.dma_semaphore, #tpu.memory_space<semaphore_mem>>) attributes {dimension_semantics = [#tpu.dimension_semantics<core_parallel>, #tpu.dimension_semantics<subcore_parallel>], iteration_bounds = array<i64: 2, 16>, scalar_prefetch = 0 : i64, scratch_operands = 6 : i64, tpu.core_type = #tpu.core_type<sc_vector_subcore>, window_params = [{transform_indices = #map}, {transform_indices = #map}, {transform_indices = #map1}, {transform_indices = #map}, {transform_indices = #map1}]} {
    %mul3A = arith.constant 2 : i32
    %mul3A_0 = arith.muli %arg1, %mul3A : i32
    %add3A = arith.addi %mul3A_0, %arg0 : i32
    %mul3A_1 = arith.constant 13312 : i32
    %mul3A_2 = arith.muli %add3A, %mul3A_1 : i32
    %mul3A_3 = arith.constant 104 : i32
    %mul3A_4 = arith.muli %add3A, %mul3A_3 : i32
    "tpu.region"() ({
      %run_scoped3A = tpu.sem_alloc : memref<!tpu.dma_semaphore, #tpu.memory_space<semaphore_mem>>
      %dma_start3A_61 = arith.constant 0 : i32
      %dma_start3A_62 = tpu.memref_slice %arg2[%mul3A_4, %dma_start3A_61] : memref<3328x128xi32, #tpu.memory_space<hbm>> -> memref<104x128xi32, #tpu.memory_space<hbm>>
      %dma_start3A_63 = arith.constant 0 : i32
      %dma_start3A_64 = tpu.memref_slice %arg2[%mul3A_4, %dma_start3A_63] : memref<3328x128xi32, #tpu.memory_space<hbm>> -> memref<104x128xi32, #tpu.memory_space<hbm>>
      tpu.enqueue_dma source(%dma_start3A_64 : memref<104x128xi32, #tpu.memory_space<hbm>>) target(%arg7 : memref<104x128xi32, #tpu.memory_space<vmem>>) target_semaphore(%run_scoped3A : memref<!tpu.dma_semaphore, #tpu.memory_space<semaphore_mem>>)
      %dma_wait3A = arith.constant 0 : i32
      %dma_wait3A_65 = tpu.memref_slice %arg2[%mul3A_4, %dma_wait3A] : memref<3328x128xi32, #tpu.memory_space<hbm>> -> memref<104x128xi32, #tpu.memory_space<hbm>>
      %dma_wait3A_66 = arith.constant 0 : i32
      %dma_wait3A_67 = tpu.memref_slice %arg2[%mul3A_4, %dma_wait3A_66] : memref<3328x128xi32, #tpu.memory_space<hbm>> -> memref<104x128xi32, #tpu.memory_space<hbm>>
      tpu.wait_dma2 semaphore(%run_scoped3A : memref<!tpu.dma_semaphore, #tpu.memory_space<semaphore_mem>>) src(%dma_wait3A_67 : memref<104x128xi32, #tpu.memory_space<hbm>>) dst(%arg7 : memref<104x128xi32, #tpu.memory_space<vmem>>)
      tpu.yield
    }) : () -> ()
    %scan3A = arith.constant 0 : i32
    %scan3A_5 = arith.constant 0 : i32
    %scan3A_6 = arith.constant 13 : i32
    %scan3A_7 = arith.addi %scan3A_5, %scan3A_6 : i32
    %scan3A_8 = arith.constant 1 : i32
    scf.for %scan3A_61 = %scan3A_5 to %scan3A_7 step %scan3A_8  : i32 {
      %mul3A_62 = arith.constant 8 : i32
      %mul3A_63 = arith.muli %scan3A_61, %mul3A_62 : i32
      %add3A_64 = arith.constant 0 : i32
      %add3A_65 = arith.addi %mul3A_63, %add3A_64 : i32
      %mul3A_66 = arith.constant 8 : i32
      %mul3A_67 = arith.muli %scan3A_61, %mul3A_66 : i32
      %add3A_68 = arith.constant 0 : i32
      %add3A_69 = arith.addi %mul3A_67, %add3A_68 : i32
      %mul3A_70 = arith.constant 128 : i32
      %mul3A_71 = arith.muli %add3A_69, %mul3A_70 : i32
      %dma_start3A_72 = tpu.memref_slice %arg10[%mul3A_71] : memref<13312xf32, #tpu.memory_space<vmem>> -> memref<128xf32, #tpu.memory_space<vmem>>
      %dma_start3A_73 = arith.constant 0 : i32
      %dma_start3A_74 = tpu.memref_slice %arg7[%add3A_65, %dma_start3A_73] : memref<104x128xi32, #tpu.memory_space<vmem>> -> memref<1x128xi32, #tpu.memory_space<vmem>>
      %dma_start3A_75 = tpu.memref_squeeze %dma_start3A_74 : memref<1x128xi32, #tpu.memory_space<vmem>> -> memref<128xi32, #tpu.memory_space<vmem>>
      %dma_start3A_76 = arith.constant 0 : i32
      %dma_start3A_77 = tpu.memref_slice %arg4[%dma_start3A_76] : memref<2600000xf32, #tpu.memory_space<hbm>> -> memref<2600000xf32, #tpu.memory_space<hbm>>
      tpu.enqueue_indirect_dma source(%dma_start3A_77 : memref<2600000xf32, #tpu.memory_space<hbm>>) target(%dma_start3A_72 : memref<128xf32, #tpu.memory_space<vmem>>) offsets(%dma_start3A_75 : memref<128xi32, #tpu.memory_space<vmem>>) semaphore(%arg12 : memref<!tpu.dma_semaphore, #tpu.memory_space<semaphore_mem>>)
      %mul3A_78 = arith.constant 8 : i32
      %mul3A_79 = arith.muli %scan3A_61, %mul3A_78 : i32
      %add3A_80 = arith.constant 1 : i32
      %add3A_81 = arith.addi %mul3A_79, %add3A_80 : i32
      %mul3A_82 = arith.constant 8 : i32
      %mul3A_83 = arith.muli %scan3A_61, %mul3A_82 : i32
      %add3A_84 = arith.constant 1 : i32
      %add3A_85 = arith.addi %mul3A_83, %add3A_84 : i32
      %mul3A_86 = arith.constant 128 : i32
      %mul3A_87 = arith.muli %add3A_85, %mul3A_86 : i32
      %dma_start3A_88 = tpu.memref_slice %arg10[%mul3A_87] : memref<13312xf32, #tpu.memory_space<vmem>> -> memref<128xf32, #tpu.memory_space<vmem>>
      %dma_start3A_89 = arith.constant 0 : i32
      %dma_start3A_90 = tpu.memref_slice %arg7[%add3A_81, %dma_start3A_89] : memref<104x128xi32, #tpu.memory_space<vmem>> -> memref<1x128xi32, #tpu.memory_space<vmem>>
      %dma_start3A_91 = tpu.memref_squeeze %dma_start3A_90 : memref<1x128xi32, #tpu.memory_space<vmem>> -> memref<128xi32, #tpu.memory_space<vmem>>
      %dma_start3A_92 = arith.constant 0 : i32
      %dma_start3A_93 = tpu.memref_slice %arg4[%dma_start3A_92] : memref<2600000xf32, #tpu.memory_space<hbm>> -> memref<2600000xf32, #tpu.memory_space<hbm>>
      tpu.enqueue_indirect_dma source(%dma_start3A_93 : memref<2600000xf32, #tpu.memory_space<hbm>>) target(%dma_start3A_88 : memref<128xf32, #tpu.memory_space<vmem>>) offsets(%dma_start3A_91 : memref<128xi32, #tpu.memory_space<vmem>>) semaphore(%arg12 : memref<!tpu.dma_semaphore, #tpu.memory_space<semaphore_mem>>)
      %mul3A_94 = arith.constant 8 : i32
      %mul3A_95 = arith.muli %scan3A_61, %mul3A_94 : i32
      %add3A_96 = arith.constant 2 : i32
      %add3A_97 = arith.addi %mul3A_95, %add3A_96 : i32
      %mul3A_98 = arith.constant 8 : i32
      %mul3A_99 = arith.muli %scan3A_61, %mul3A_98 : i32
      %add3A_100 = arith.constant 2 : i32
      %add3A_101 = arith.addi %mul3A_99, %add3A_100 : i32
      %mul3A_102 = arith.constant 128 : i32
      %mul3A_103 = arith.muli %add3A_101, %mul3A_102 : i32
      %dma_start3A_104 = tpu.memref_slice %arg10[%mul3A_103] : memref<13312xf32, #tpu.memory_space<vmem>> -> memref<128xf32, #tpu.memory_space<vmem>>
      %dma_start3A_105 = arith.constant 0 : i32
      %dma_start3A_106 = tpu.memref_slice %arg7[%add3A_97, %dma_start3A_105] : memref<104x128xi32, #tpu.memory_space<vmem>> -> memref<1x128xi32, #tpu.memory_space<vmem>>
      %dma_start3A_107 = tpu.memref_squeeze %dma_start3A_106 : memref<1x128xi32, #tpu.memory_space<vmem>> -> memref<128xi32, #tpu.memory_space<vmem>>
      %dma_start3A_108 = arith.constant 0 : i32
      %dma_start3A_109 = tpu.memref_slice %arg4[%dma_start3A_108] : memref<2600000xf32, #tpu.memory_space<hbm>> -> memref<2600000xf32, #tpu.memory_space<hbm>>
      tpu.enqueue_indirect_dma source(%dma_start3A_109 : memref<2600000xf32, #tpu.memory_space<hbm>>) target(%dma_start3A_104 : memref<128xf32, #tpu.memory_space<vmem>>) offsets(%dma_start3A_107 : memref<128xi32, #tpu.memory_space<vmem>>) semaphore(%arg12 : memref<!tpu.dma_semaphore, #tpu.memory_space<semaphore_mem>>)
      %mul3A_110 = arith.constant 8 : i32
      %mul3A_111 = arith.muli %scan3A_61, %mul3A_110 : i32
      %add3A_112 = arith.constant 3 : i32
      %add3A_113 = arith.addi %mul3A_111, %add3A_112 : i32
      %mul3A_114 = arith.constant 8 : i32
      %mul3A_115 = arith.muli %scan3A_61, %mul3A_114 : i32
      %add3A_116 = arith.constant 3 : i32
      %add3A_117 = arith.addi %mul3A_115, %add3A_116 : i32
      %mul3A_118 = arith.constant 128 : i32
      %mul3A_119 = arith.muli %add3A_117, %mul3A_118 : i32
      %dma_start3A_120 = tpu.memref_slice %arg10[%mul3A_119] : memref<13312xf32, #tpu.memory_space<vmem>> -> memref<128xf32, #tpu.memory_space<vmem>>
      %dma_start3A_121 = arith.constant 0 : i32
      %dma_start3A_122 = tpu.memref_slice %arg7[%add3A_113, %dma_start3A_121] : memref<104x128xi32, #tpu.memory_space<vmem>> -> memref<1x128xi32, #tpu.memory_space<vmem>>
      %dma_start3A_123 = tpu.memref_squeeze %dma_start3A_122 : memref<1x128xi32, #tpu.memory_space<vmem>> -> memref<128xi32, #tpu.memory_space<vmem>>
      %dma_start3A_124 = arith.constant 0 : i32
      %dma_start3A_125 = tpu.memref_slice %arg4[%dma_start3A_124] : memref<2600000xf32, #tpu.memory_space<hbm>> -> memref<2600000xf32, #tpu.memory_space<hbm>>
      tpu.enqueue_indirect_dma source(%dma_start3A_125 : memref<2600000xf32, #tpu.memory_space<hbm>>) target(%dma_start3A_120 : memref<128xf32, #tpu.memory_space<vmem>>) offsets(%dma_start3A_123 : memref<128xi32, #tpu.memory_space<vmem>>) semaphore(%arg12 : memref<!tpu.dma_semaphore, #tpu.memory_space<semaphore_mem>>)
      %mul3A_126 = arith.constant 8 : i32
      %mul3A_127 = arith.muli %scan3A_61, %mul3A_126 : i32
      %add3A_128 = arith.constant 4 : i32
      %add3A_129 = arith.addi %mul3A_127, %add3A_128 : i32
      %mul3A_130 = arith.constant 8 : i32
      %mul3A_131 = arith.muli %scan3A_61, %mul3A_130 : i32
      %add3A_132 = arith.constant 4 : i32
      %add3A_133 = arith.addi %mul3A_131, %add3A_132 : i32
      %mul3A_134 = arith.constant 128 : i32
      %mul3A_135 = arith.muli %add3A_133, %mul3A_134 : i32
      %dma_start3A_136 = tpu.memref_slice %arg10[%mul3A_135] : memref<13312xf32, #tpu.memory_space<vmem>> -> memref<128xf32, #tpu.memory_space<vmem>>
      %dma_start3A_137 = arith.constant 0 : i32
      %dma_start3A_138 = tpu.memref_slice %arg7[%add3A_129, %dma_start3A_137] : memref<104x128xi32, #tpu.memory_space<vmem>> -> memref<1x128xi32, #tpu.memory_space<vmem>>
      %dma_start3A_139 = tpu.memref_squeeze %dma_start3A_138 : memref<1x128xi32, #tpu.memory_space<vmem>> -> memref<128xi32, #tpu.memory_space<vmem>>
      %dma_start3A_140 = arith.constant 0 : i32
      %dma_start3A_141 = tpu.memref_slice %arg4[%dma_start3A_140] : memref<2600000xf32, #tpu.memory_space<hbm>> -> memref<2600000xf32, #tpu.memory_space<hbm>>
      tpu.enqueue_indirect_dma source(%dma_start3A_141 : memref<2600000xf32, #tpu.memory_space<hbm>>) target(%dma_start3A_136 : memref<128xf32, #tpu.memory_space<vmem>>) offsets(%dma_start3A_139 : memref<128xi32, #tpu.memory_space<vmem>>) semaphore(%arg12 : memref<!tpu.dma_semaphore, #tpu.memory_space<semaphore_mem>>)
      %mul3A_142 = arith.constant 8 : i32
      %mul3A_143 = arith.muli %scan3A_61, %mul3A_142 : i32
      %add3A_144 = arith.constant 5 : i32
      %add3A_145 = arith.addi %mul3A_143, %add3A_144 : i32
      %mul3A_146 = arith.constant 8 : i32
      %mul3A_147 = arith.muli %scan3A_61, %mul3A_146 : i32
      %add3A_148 = arith.constant 5 : i32
      %add3A_149 = arith.addi %mul3A_147, %add3A_148 : i32
      %mul3A_150 = arith.constant 128 : i32
      %mul3A_151 = arith.muli %add3A_149, %mul3A_150 : i32
      %dma_start3A_152 = tpu.memref_slice %arg10[%mul3A_151] : memref<13312xf32, #tpu.memory_space<vmem>> -> memref<128xf32, #tpu.memory_space<vmem>>
      %dma_start3A_153 = arith.constant 0 : i32
      %dma_start3A_154 = tpu.memref_slice %arg7[%add3A_145, %dma_start3A_153] : memref<104x128xi32, #tpu.memory_space<vmem>> -> memref<1x128xi32, #tpu.memory_space<vmem>>
      %dma_start3A_155 = tpu.memref_squeeze %dma_start3A_154 : memref<1x128xi32, #tpu.memory_space<vmem>> -> memref<128xi32, #tpu.memory_space<vmem>>
      %dma_start3A_156 = arith.constant 0 : i32
      %dma_start3A_157 = tpu.memref_slice %arg4[%dma_start3A_156] : memref<2600000xf32, #tpu.memory_space<hbm>> -> memref<2600000xf32, #tpu.memory_space<hbm>>
      tpu.enqueue_indirect_dma source(%dma_start3A_157 : memref<2600000xf32, #tpu.memory_space<hbm>>) target(%dma_start3A_152 : memref<128xf32, #tpu.memory_space<vmem>>) offsets(%dma_start3A_155 : memref<128xi32, #tpu.memory_space<vmem>>) semaphore(%arg12 : memref<!tpu.dma_semaphore, #tpu.memory_space<semaphore_mem>>)
      %mul3A_158 = arith.constant 8 : i32
      %mul3A_159 = arith.muli %scan3A_61, %mul3A_158 : i32
      %add3A_160 = arith.constant 6 : i32
      %add3A_161 = arith.addi %mul3A_159, %add3A_160 : i32
      %mul3A_162 = arith.constant 8 : i32
      %mul3A_163 = arith.muli %scan3A_61, %mul3A_162 : i32
      %add3A_164 = arith.constant 6 : i32
      %add3A_165 = arith.addi %mul3A_163, %add3A_164 : i32
      %mul3A_166 = arith.constant 128 : i32
      %mul3A_167 = arith.muli %add3A_165, %mul3A_166 : i32
      %dma_start3A_168 = tpu.memref_slice %arg10[%mul3A_167] : memref<13312xf32, #tpu.memory_space<vmem>> -> memref<128xf32, #tpu.memory_space<vmem>>
      %dma_start3A_169 = arith.constant 0 : i32
      %dma_start3A_170 = tpu.memref_slice %arg7[%add3A_161, %dma_start3A_169] : memref<104x128xi32, #tpu.memory_space<vmem>> -> memref<1x128xi32, #tpu.memory_space<vmem>>
      %dma_start3A_171 = tpu.memref_squeeze %dma_start3A_170 : memref<1x128xi32, #tpu.memory_space<vmem>> -> memref<128xi32, #tpu.memory_space<vmem>>
      %dma_start3A_172 = arith.constant 0 : i32
      %dma_start3A_173 = tpu.memref_slice %arg4[%dma_start3A_172] : memref<2600000xf32, #tpu.memory_space<hbm>> -> memref<2600000xf32, #tpu.memory_space<hbm>>
      tpu.enqueue_indirect_dma source(%dma_start3A_173 : memref<2600000xf32, #tpu.memory_space<hbm>>) target(%dma_start3A_168 : memref<128xf32, #tpu.memory_space<vmem>>) offsets(%dma_start3A_171 : memref<128xi32, #tpu.memory_space<vmem>>) semaphore(%arg12 : memref<!tpu.dma_semaphore, #tpu.memory_space<semaphore_mem>>)
      %mul3A_174 = arith.constant 8 : i32
      %mul3A_175 = arith.muli %scan3A_61, %mul3A_174 : i32
      %add3A_176 = arith.constant 7 : i32
      %add3A_177 = arith.addi %mul3A_175, %add3A_176 : i32
      %mul3A_178 = arith.constant 8 : i32
      %mul3A_179 = arith.muli %scan3A_61, %mul3A_178 : i32
      %add3A_180 = arith.constant 7 : i32
      %add3A_181 = arith.addi %mul3A_179, %add3A_180 : i32
      %mul3A_182 = arith.constant 128 : i32
      %mul3A_183 = arith.muli %add3A_181, %mul3A_182 : i32
      %dma_start3A_184 = tpu.memref_slice %arg10[%mul3A_183] : memref<13312xf32, #tpu.memory_space<vmem>> -> memref<128xf32, #tpu.memory_space<vmem>>
      %dma_start3A_185 = arith.constant 0 : i32
      %dma_start3A_186 = tpu.memref_slice %arg7[%add3A_177, %dma_start3A_185] : memref<104x128xi32, #tpu.memory_space<vmem>> -> memref<1x128xi32, #tpu.memory_space<vmem>>
      %dma_start3A_187 = tpu.memref_squeeze %dma_start3A_186 : memref<1x128xi32, #tpu.memory_space<vmem>> -> memref<128xi32, #tpu.memory_space<vmem>>
      %dma_start3A_188 = arith.constant 0 : i32
      %dma_start3A_189 = tpu.memref_slice %arg4[%dma_start3A_188] : memref<2600000xf32, #tpu.memory_space<hbm>> -> memref<2600000xf32, #tpu.memory_space<hbm>>
      tpu.enqueue_indirect_dma source(%dma_start3A_189 : memref<2600000xf32, #tpu.memory_space<hbm>>) target(%dma_start3A_184 : memref<128xf32, #tpu.memory_space<vmem>>) offsets(%dma_start3A_187 : memref<128xi32, #tpu.memory_space<vmem>>) semaphore(%arg12 : memref<!tpu.dma_semaphore, #tpu.memory_space<semaphore_mem>>)
    }
    %scan3A_9 = arith.constant 13 : i32
    %dma_start3A = arith.constant 0 : i32
    %dma_start3A_10 = arith.constant 0 : i32
    %dma_start3A_11 = arith.constant 0 : i32
    %dma_start3A_12 = tpu.memref_slice %arg8[%dma_start3A_10, %dma_start3A_11] : memref<512x16xf32, #tpu.memory_space<vmem>> -> memref<128x16xf32, #tpu.memory_space<vmem>>
    %dma_start3A_13 = arith.constant 0 : i32
    %dma_start3A_14 = tpu.memref_slice %arg7[%dma_start3A, %dma_start3A_13] : memref<104x128xi32, #tpu.memory_space<vmem>> -> memref<1x128xi32, #tpu.memory_space<vmem>>
    %dma_start3A_15 = tpu.memref_squeeze %dma_start3A_14 : memref<1x128xi32, #tpu.memory_space<vmem>> -> memref<128xi32, #tpu.memory_space<vmem>>
    %dma_start3A_16 = arith.constant 0 : i32
    %dma_start3A_17 = arith.constant 0 : i32
    %dma_start3A_18 = tpu.memref_slice %arg3[%dma_start3A_16, %dma_start3A_17] : memref<2600000x16xf32, #tpu.memory_space<hbm>> -> memref<2600000x16xf32, #tpu.memory_space<hbm>>
    tpu.enqueue_indirect_dma source(%dma_start3A_18 : memref<2600000x16xf32, #tpu.memory_space<hbm>>) target(%dma_start3A_12 : memref<128x16xf32, #tpu.memory_space<vmem>>) offsets(%dma_start3A_15 : memref<128xi32, #tpu.memory_space<vmem>>) semaphore(%arg11 : memref<!tpu.dma_semaphore, #tpu.memory_space<semaphore_mem>>)
    %dma_start3A_19 = arith.constant 1 : i32
    %dma_start3A_20 = arith.constant 128 : i32
    %dma_start3A_21 = arith.constant 0 : i32
    %dma_start3A_22 = tpu.memref_slice %arg8[%dma_start3A_20, %dma_start3A_21] : memref<512x16xf32, #tpu.memory_space<vmem>> -> memref<128x16xf32, #tpu.memory_space<vmem>>
    %dma_start3A_23 = arith.constant 0 : i32
    %dma_start3A_24 = tpu.memref_slice %arg7[%dma_start3A_19, %dma_start3A_23] : memref<104x128xi32, #tpu.memory_space<vmem>> -> memref<1x128xi32, #tpu.memory_space<vmem>>
    %dma_start3A_25 = tpu.memref_squeeze %dma_start3A_24 : memref<1x128xi32, #tpu.memory_space<vmem>> -> memref<128xi32, #tpu.memory_space<vmem>>
    %dma_start3A_26 = arith.constant 0 : i32
    %dma_start3A_27 = arith.constant 0 : i32
    %dma_start3A_28 = tpu.memref_slice %arg3[%dma_start3A_26, %dma_start3A_27] : memref<2600000x16xf32, #tpu.memory_space<hbm>> -> memref<2600000x16xf32, #tpu.memory_space<hbm>>
    tpu.enqueue_indirect_dma source(%dma_start3A_28 : memref<2600000x16xf32, #tpu.memory_space<hbm>>) target(%dma_start3A_22 : memref<128x16xf32, #tpu.memory_space<vmem>>) offsets(%dma_start3A_25 : memref<128xi32, #tpu.memory_space<vmem>>) semaphore(%arg11 : memref<!tpu.dma_semaphore, #tpu.memory_space<semaphore_mem>>)
    %dma_start3A_29 = arith.constant 2 : i32
    %dma_start3A_30 = arith.constant 256 : i32
    %dma_start3A_31 = arith.constant 0 : i32
    %dma_start3A_32 = tpu.memref_slice %arg8[%dma_start3A_30, %dma_start3A_31] : memref<512x16xf32, #tpu.memory_space<vmem>> -> memref<128x16xf32, #tpu.memory_space<vmem>>
    %dma_start3A_33 = arith.constant 0 : i32
    %dma_start3A_34 = tpu.memref_slice %arg7[%dma_start3A_29, %dma_start3A_33] : memref<104x128xi32, #tpu.memory_space<vmem>> -> memref<1x128xi32, #tpu.memory_space<vmem>>
    %dma_start3A_35 = tpu.memref_squeeze %dma_start3A_34 : memref<1x128xi32, #tpu.memory_space<vmem>> -> memref<128xi32, #tpu.memory_space<vmem>>
    %dma_start3A_36 = arith.constant 0 : i32
    %dma_start3A_37 = arith.constant 0 : i32
    %dma_start3A_38 = tpu.memref_slice %arg3[%dma_start3A_36, %dma_start3A_37] : memref<2600000x16xf32, #tpu.memory_space<hbm>> -> memref<2600000x16xf32, #tpu.memory_space<hbm>>
    tpu.enqueue_indirect_dma source(%dma_start3A_38 : memref<2600000x16xf32, #tpu.memory_space<hbm>>) target(%dma_start3A_32 : memref<128x16xf32, #tpu.memory_space<vmem>>) offsets(%dma_start3A_35 : memref<128xi32, #tpu.memory_space<vmem>>) semaphore(%arg11 : memref<!tpu.dma_semaphore, #tpu.memory_space<semaphore_mem>>)
    %dma_start3A_39 = arith.constant 3 : i32
    %dma_start3A_40 = arith.constant 384 : i32
    %dma_start3A_41 = arith.constant 0 : i32
    %dma_start3A_42 = tpu.memref_slice %arg8[%dma_start3A_40, %dma_start3A_41] : memref<512x16xf32, #tpu.memory_space<vmem>> -> memref<128x16xf32, #tpu.memory_space<vmem>>
    %dma_start3A_43 = arith.constant 0 : i32
    %dma_start3A_44 = tpu.memref_slice %arg7[%dma_start3A_39, %dma_start3A_43] : memref<104x128xi32, #tpu.memory_space<vmem>> -> memref<1x128xi32, #tpu.memory_space<vmem>>
    %dma_start3A_45 = tpu.memref_squeeze %dma_start3A_44 : memref<1x128xi32, #tpu.memory_space<vmem>> -> memref<128xi32, #tpu.memory_space<vmem>>
    %dma_start3A_46 = arith.constant 0 : i32
    %dma_start3A_47 = arith.constant 0 : i32
    %dma_start3A_48 = tpu.memref_slice %arg3[%dma_start3A_46, %dma_start3A_47] : memref<2600000x16xf32, #tpu.memory_space<hbm>> -> memref<2600000x16xf32, #tpu.memory_space<hbm>>
    tpu.enqueue_indirect_dma source(%dma_start3A_48 : memref<2600000x16xf32, #tpu.memory_space<hbm>>) target(%dma_start3A_42 : memref<128x16xf32, #tpu.memory_space<vmem>>) offsets(%dma_start3A_45 : memref<128xi32, #tpu.memory_space<vmem>>) semaphore(%arg11 : memref<!tpu.dma_semaphore, #tpu.memory_space<semaphore_mem>>)
    %scan3A_49 = arith.constant 0 : i32
    %scan3A_50 = arith.constant 0 : i32
    %scan3A_51 = arith.constant 13 : i32
    %scan3A_52 = arith.addi %scan3A_50, %scan3A_51 : i32
    %scan3A_53 = arith.constant 1 : i32
    scf.for %scan3A_61 = %scan3A_50 to %scan3A_52 step %scan3A_53  : i32 {
      %mul3A_62 = arith.constant 2 : i32
      %mul3A_63 = arith.muli %scan3A_61, %mul3A_62 : i32
      %add3A_64 = arith.constant 1 : i32
      %add3A_65 = arith.addi %mul3A_63, %add3A_64 : i32
      %mul3A_66 = arith.constant 4 : i32
      %mul3A_67 = arith.muli %add3A_65, %mul3A_66 : i32
      %add3A_68 = arith.constant 0 : i32
      %add3A_69 = arith.addi %mul3A_67, %add3A_68 : i32
      %dma_start3A_70 = arith.constant 0 : i32
      %dma_start3A_71 = arith.constant 0 : i32
      %dma_start3A_72 = tpu.memref_slice %arg9[%dma_start3A_70, %dma_start3A_71] : memref<512x16xf32, #tpu.memory_space<vmem>> -> memref<128x16xf32, #tpu.memory_space<vmem>>
      %dma_start3A_73 = arith.constant 0 : i32
      %dma_start3A_74 = tpu.memref_slice %arg7[%add3A_69, %dma_start3A_73] : memref<104x128xi32, #tpu.memory_space<vmem>> -> memref<1x128xi32, #tpu.memory_space<vmem>>
      %dma_start3A_75 = tpu.memref_squeeze %dma_start3A_74 : memref<1x128xi32, #tpu.memory_space<vmem>> -> memref<128xi32, #tpu.memory_space<vmem>>
      %dma_start3A_76 = arith.constant 0 : i32
      %dma_start3A_77 = arith.constant 0 : i32
      %dma_start3A_78 = tpu.memref_slice %arg3[%dma_start3A_76, %dma_start3A_77] : memref<2600000x16xf32, #tpu.memory_space<hbm>> -> memref<2600000x16xf32, #tpu.memory_space<hbm>>
      tpu.enqueue_indirect_dma source(%dma_start3A_78 : memref<2600000x16xf32, #tpu.memory_space<hbm>>) target(%dma_start3A_72 : memref<128x16xf32, #tpu.memory_space<vmem>>) offsets(%dma_start3A_75 : memref<128xi32, #tpu.memory_space<vmem>>) semaphore(%arg11 : memref<!tpu.dma_semaphore, #tpu.memory_space<semaphore_mem>>)
      %mul3A_79 = arith.constant 4 : i32
      %mul3A_80 = arith.muli %add3A_65, %mul3A_79 : i32
      %add3A_81 = arith.constant 1 : i32
      %add3A_82 = arith.addi %mul3A_80, %add3A_81 : i32
      %dma_start3A_83 = arith.constant 128 : i32
      %dma_start3A_84 = arith.constant 0 : i32
      %dma_start3A_85 = tpu.memref_slice %arg9[%dma_start3A_83, %dma_start3A_84] : memref<512x16xf32, #tpu.memory_space<vmem>> -> memref<128x16xf32, #tpu.memory_space<vmem>>
      %dma_start3A_86 = arith.constant 0 : i32
      %dma_start3A_87 = tpu.memref_slice %arg7[%add3A_82, %dma_start3A_86] : memref<104x128xi32, #tpu.memory_space<vmem>> -> memref<1x128xi32, #tpu.memory_space<vmem>>
      %dma_start3A_88 = tpu.memref_squeeze %dma_start3A_87 : memref<1x128xi32, #tpu.memory_space<vmem>> -> memref<128xi32, #tpu.memory_space<vmem>>
      %dma_start3A_89 = arith.constant 0 : i32
      %dma_start3A_90 = arith.constant 0 : i32
      %dma_start3A_91 = tpu.memref_slice %arg3[%dma_start3A_89, %dma_start3A_90] : memref<2600000x16xf32, #tpu.memory_space<hbm>> -> memref<2600000x16xf32, #tpu.memory_space<hbm>>
      tpu.enqueue_indirect_dma source(%dma_start3A_91 : memref<2600000x16xf32, #tpu.memory_space<hbm>>) target(%dma_start3A_85 : memref<128x16xf32, #tpu.memory_space<vmem>>) offsets(%dma_start3A_88 : memref<128xi32, #tpu.memory_space<vmem>>) semaphore(%arg11 : memref<!tpu.dma_semaphore, #tpu.memory_space<semaphore_mem>>)
      %mul3A_92 = arith.constant 4 : i32
      %mul3A_93 = arith.muli %add3A_65, %mul3A_92 : i32
      %add3A_94 = arith.constant 2 : i32
      %add3A_95 = arith.addi %mul3A_93, %add3A_94 : i32
      %dma_start3A_96 = arith.constant 256 : i32
      %dma_start3A_97 = arith.constant 0 : i32
      %dma_start3A_98 = tpu.memref_slice %arg9[%dma_start3A_96, %dma_start3A_97] : memref<512x16xf32, #tpu.memory_space<vmem>> -> memref<128x16xf32, #tpu.memory_space<vmem>>
      %dma_start3A_99 = arith.constant 0 : i32
      %dma_start3A_100 = tpu.memref_slice %arg7[%add3A_95, %dma_start3A_99] : memref<104x128xi32, #tpu.memory_space<vmem>> -> memref<1x128xi32, #tpu.memory_space<vmem>>
      %dma_start3A_101 = tpu.memref_squeeze %dma_start3A_100 : memref<1x128xi32, #tpu.memory_space<vmem>> -> memref<128xi32, #tpu.memory_space<vmem>>
      %dma_start3A_102 = arith.constant 0 : i32
      %dma_start3A_103 = arith.constant 0 : i32
      %dma_start3A_104 = tpu.memref_slice %arg3[%dma_start3A_102, %dma_start3A_103] : memref<2600000x16xf32, #tpu.memory_space<hbm>> -> memref<2600000x16xf32, #tpu.memory_space<hbm>>
      tpu.enqueue_indirect_dma source(%dma_start3A_104 : memref<2600000x16xf32, #tpu.memory_space<hbm>>) target(%dma_start3A_98 : memref<128x16xf32, #tpu.memory_space<vmem>>) offsets(%dma_start3A_101 : memref<128xi32, #tpu.memory_space<vmem>>) semaphore(%arg11 : memref<!tpu.dma_semaphore, #tpu.memory_space<semaphore_mem>>)
      %mul3A_105 = arith.constant 4 : i32
      %mul3A_106 = arith.muli %add3A_65, %mul3A_105 : i32
      %add3A_107 = arith.constant 3 : i32
      %add3A_108 = arith.addi %mul3A_106, %add3A_107 : i32
      %dma_start3A_109 = arith.constant 384 : i32
      %dma_start3A_110 = arith.constant 0 : i32
      %dma_start3A_111 = tpu.memref_slice %arg9[%dma_start3A_109, %dma_start3A_110] : memref<512x16xf32, #tpu.memory_space<vmem>> -> memref<128x16xf32, #tpu.memory_space<vmem>>
      %dma_start3A_112 = arith.constant 0 : i32
      %dma_start3A_113 = tpu.memref_slice %arg7[%add3A_108, %dma_start3A_112] : memref<104x128xi32, #tpu.memory_space<vmem>> -> memref<1x128xi32, #tpu.memory_space<vmem>>
      %dma_start3A_114 = tpu.memref_squeeze %dma_start3A_113 : memref<1x128xi32, #tpu.memory_space<vmem>> -> memref<128xi32, #tpu.memory_space<vmem>>
      %dma_start3A_115 = arith.constant 0 : i32
      %dma_start3A_116 = arith.constant 0 : i32
      %dma_start3A_117 = tpu.memref_slice %arg3[%dma_start3A_115, %dma_start3A_116] : memref<2600000x16xf32, #tpu.memory_space<hbm>> -> memref<2600000x16xf32, #tpu.memory_space<hbm>>
      tpu.enqueue_indirect_dma source(%dma_start3A_117 : memref<2600000x16xf32, #tpu.memory_space<hbm>>) target(%dma_start3A_111 : memref<128x16xf32, #tpu.memory_space<vmem>>) offsets(%dma_start3A_114 : memref<128xi32, #tpu.memory_space<vmem>>) semaphore(%arg11 : memref<!tpu.dma_semaphore, #tpu.memory_space<semaphore_mem>>)
      %mul3A_118 = arith.constant 4 : i32
      %mul3A_119 = arith.muli %mul3A_63, %mul3A_118 : i32
      %add3A_120 = arith.constant 0 : i32
      %add3A_121 = arith.addi %mul3A_119, %add3A_120 : i32
      %dma_wait3A = arith.constant 0 : i32
      %dma_wait3A_122 = arith.constant 0 : i32
      %dma_wait3A_123 = tpu.memref_slice %arg8[%dma_wait3A, %dma_wait3A_122] : memref<512x16xf32, #tpu.memory_space<vmem>> -> memref<128x16xf32, #tpu.memory_space<vmem>>
      %dma_wait3A_124 = arith.constant 0 : i32
      %dma_wait3A_125 = tpu.memref_slice %arg7[%add3A_121, %dma_wait3A_124] : memref<104x128xi32, #tpu.memory_space<vmem>> -> memref<1x128xi32, #tpu.memory_space<vmem>>
      %dma_wait3A_126 = tpu.memref_squeeze %dma_wait3A_125 : memref<1x128xi32, #tpu.memory_space<vmem>> -> memref<128xi32, #tpu.memory_space<vmem>>
      %dma_wait3A_127 = arith.constant 0 : i32
      %dma_wait3A_128 = arith.constant 0 : i32
      %dma_wait3A_129 = tpu.memref_slice %arg3[%dma_wait3A_127, %dma_wait3A_128] : memref<2600000x16xf32, #tpu.memory_space<hbm>> -> memref<2600000x16xf32, #tpu.memory_space<hbm>>
      tpu.wait_indirect_dma semaphore(%arg11 : memref<!tpu.dma_semaphore, #tpu.memory_space<semaphore_mem>>) src(%dma_wait3A_129 : memref<2600000x16xf32, #tpu.memory_space<hbm>>) dst(%dma_wait3A_123 : memref<128x16xf32, #tpu.memory_space<vmem>>)
      %mul3A_130 = arith.constant 4 : i32
      %mul3A_131 = arith.muli %mul3A_63, %mul3A_130 : i32
      %add3A_132 = arith.constant 1 : i32
      %add3A_133 = arith.addi %mul3A_131, %add3A_132 : i32
      %dma_wait3A_134 = arith.constant 128 : i32
      %dma_wait3A_135 = arith.constant 0 : i32
      %dma_wait3A_136 = tpu.memref_slice %arg8[%dma_wait3A_134, %dma_wait3A_135] : memref<512x16xf32, #tpu.memory_space<vmem>> -> memref<128x16xf32, #tpu.memory_space<vmem>>
      %dma_wait3A_137 = arith.constant 0 : i32
      %dma_wait3A_138 = tpu.memref_slice %arg7[%add3A_133, %dma_wait3A_137] : memref<104x128xi32, #tpu.memory_space<vmem>> -> memref<1x128xi32, #tpu.memory_space<vmem>>
      %dma_wait3A_139 = tpu.memref_squeeze %dma_wait3A_138 : memref<1x128xi32, #tpu.memory_space<vmem>> -> memref<128xi32, #tpu.memory_space<vmem>>
      %dma_wait3A_140 = arith.constant 0 : i32
      %dma_wait3A_141 = arith.constant 0 : i32
      %dma_wait3A_142 = tpu.memref_slice %arg3[%dma_wait3A_140, %dma_wait3A_141] : memref<2600000x16xf32, #tpu.memory_space<hbm>> -> memref<2600000x16xf32, #tpu.memory_space<hbm>>
      tpu.wait_indirect_dma semaphore(%arg11 : memref<!tpu.dma_semaphore, #tpu.memory_space<semaphore_mem>>) src(%dma_wait3A_142 : memref<2600000x16xf32, #tpu.memory_space<hbm>>) dst(%dma_wait3A_136 : memref<128x16xf32, #tpu.memory_space<vmem>>)
      %mul3A_143 = arith.constant 4 : i32
      %mul3A_144 = arith.muli %mul3A_63, %mul3A_143 : i32
      %add3A_145 = arith.constant 2 : i32
      %add3A_146 = arith.addi %mul3A_144, %add3A_145 : i32
      %dma_wait3A_147 = arith.constant 256 : i32
      %dma_wait3A_148 = arith.constant 0 : i32
      %dma_wait3A_149 = tpu.memref_slice %arg8[%dma_wait3A_147, %dma_wait3A_148] : memref<512x16xf32, #tpu.memory_space<vmem>> -> memref<128x16xf32, #tpu.memory_space<vmem>>
      %dma_wait3A_150 = arith.constant 0 : i32
      %dma_wait3A_151 = tpu.memref_slice %arg7[%add3A_146, %dma_wait3A_150] : memref<104x128xi32, #tpu.memory_space<vmem>> -> memref<1x128xi32, #tpu.memory_space<vmem>>
      %dma_wait3A_152 = tpu.memref_squeeze %dma_wait3A_151 : memref<1x128xi32, #tpu.memory_space<vmem>> -> memref<128xi32, #tpu.memory_space<vmem>>
      %dma_wait3A_153 = arith.constant 0 : i32
      %dma_wait3A_154 = arith.constant 0 : i32
      %dma_wait3A_155 = tpu.memref_slice %arg3[%dma_wait3A_153, %dma_wait3A_154] : memref<2600000x16xf32, #tpu.memory_space<hbm>> -> memref<2600000x16xf32, #tpu.memory_space<hbm>>
      tpu.wait_indirect_dma semaphore(%arg11 : memref<!tpu.dma_semaphore, #tpu.memory_space<semaphore_mem>>) src(%dma_wait3A_155 : memref<2600000x16xf32, #tpu.memory_space<hbm>>) dst(%dma_wait3A_149 : memref<128x16xf32, #tpu.memory_space<vmem>>)
      %mul3A_156 = arith.constant 4 : i32
      %mul3A_157 = arith.muli %mul3A_63, %mul3A_156 : i32
      %add3A_158 = arith.constant 3 : i32
      %add3A_159 = arith.addi %mul3A_157, %add3A_158 : i32
      %dma_wait3A_160 = arith.constant 384 : i32
      %dma_wait3A_161 = arith.constant 0 : i32
      %dma_wait3A_162 = tpu.memref_slice %arg8[%dma_wait3A_160, %dma_wait3A_161] : memref<512x16xf32, #tpu.memory_space<vmem>> -> memref<128x16xf32, #tpu.memory_space<vmem>>
      %dma_wait3A_163 = arith.constant 0 : i32
      %dma_wait3A_164 = tpu.memref_slice %arg7[%add3A_159, %dma_wait3A_163] : memref<104x128xi32, #tpu.memory_space<vmem>> -> memref<1x128xi32, #tpu.memory_space<vmem>>
      %dma_wait3A_165 = tpu.memref_squeeze %dma_wait3A_164 : memref<1x128xi32, #tpu.memory_space<vmem>> -> memref<128xi32, #tpu.memory_space<vmem>>
      %dma_wait3A_166 = arith.constant 0 : i32
      %dma_wait3A_167 = arith.constant 0 : i32
      %dma_wait3A_168 = tpu.memref_slice %arg3[%dma_wait3A_166, %dma_wait3A_167] : memref<2600000x16xf32, #tpu.memory_space<hbm>> -> memref<2600000x16xf32, #tpu.memory_space<hbm>>
      tpu.wait_indirect_dma semaphore(%arg11 : memref<!tpu.dma_semaphore, #tpu.memory_space<semaphore_mem>>) src(%dma_wait3A_168 : memref<2600000x16xf32, #tpu.memory_space<hbm>>) dst(%dma_wait3A_162 : memref<128x16xf32, #tpu.memory_space<vmem>>)
      %mul3A_169 = arith.constant 512 : i32
      %mul3A_170 = arith.muli %mul3A_63, %mul3A_169 : i32
      %add3A_171 = arith.addi %mul3A_2, %mul3A_170 : i32
      "tpu.region"() ({
        %run_scoped3A = tpu.sem_alloc : memref<!tpu.dma_semaphore, #tpu.memory_space<semaphore_mem>>
        %dma_start3A_233 = arith.constant 0 : i32
        %dma_start3A_234 = tpu.memref_slice %arg5[%add3A_171, %dma_start3A_233] : memref<425984x16xf32, #tpu.memory_space<hbm>> -> memref<512x16xf32, #tpu.memory_space<hbm>>
        %dma_start3A_235 = arith.constant 0 : i32
        %dma_start3A_236 = tpu.memref_slice %arg5[%add3A_171, %dma_start3A_235] : memref<425984x16xf32, #tpu.memory_space<hbm>> -> memref<512x16xf32, #tpu.memory_space<hbm>>
        tpu.enqueue_dma source(%arg8 : memref<512x16xf32, #tpu.memory_space<vmem>>) target(%dma_start3A_236 : memref<512x16xf32, #tpu.memory_space<hbm>>) target_semaphore(%run_scoped3A : memref<!tpu.dma_semaphore, #tpu.memory_space<semaphore_mem>>)
        %dma_wait3A_237 = arith.constant 0 : i32
        %dma_wait3A_238 = tpu.memref_slice %arg5[%add3A_171, %dma_wait3A_237] : memref<425984x16xf32, #tpu.memory_space<hbm>> -> memref<512x16xf32, #tpu.memory_space<hbm>>
        %dma_wait3A_239 = arith.constant 0 : i32
        %dma_wait3A_240 = tpu.memref_slice %arg5[%add3A_171, %dma_wait3A_239] : memref<425984x16xf32, #tpu.memory_space<hbm>> -> memref<512x16xf32, #tpu.memory_space<hbm>>
        tpu.wait_dma2 semaphore(%run_scoped3A : memref<!tpu.dma_semaphore, #tpu.memory_space<semaphore_mem>>) src(%arg8 : memref<512x16xf32, #tpu.memory_space<vmem>>) dst(%dma_wait3A_240 : memref<512x16xf32, #tpu.memory_space<hbm>>)
        tpu.yield
      }) : () -> ()
      %lt3A = arith.constant 12 : i32
      %lt3A_172 = arith.cmpi slt, %scan3A_61, %lt3A : i32
      %convert_element_type3A = arith.extui %lt3A_172 : i1 to i32
      %cond3A = arith.constant 0 : i32
      %cond3A_173 = arith.cmpi ne, %convert_element_type3A, %cond3A : i32
      scf.if %cond3A_173 {
        %add3A_233 = arith.constant 2 : i32
        %add3A_234 = arith.addi %mul3A_63, %add3A_233 : i32
        %mul3A_235 = arith.constant 4 : i32
        %mul3A_236 = arith.muli %add3A_234, %mul3A_235 : i32
        %add3A_237 = arith.constant 0 : i32
        %add3A_238 = arith.addi %mul3A_236, %add3A_237 : i32
        %dma_start3A_239 = arith.constant 0 : i32
        %dma_start3A_240 = arith.constant 0 : i32
        %dma_start3A_241 = tpu.memref_slice %arg8[%dma_start3A_239, %dma_start3A_240] : memref<512x16xf32, #tpu.memory_space<vmem>> -> memref<128x16xf32, #tpu.memory_space<vmem>>
        %dma_start3A_242 = arith.constant 0 : i32
        %dma_start3A_243 = tpu.memref_slice %arg7[%add3A_238, %dma_start3A_242] : memref<104x128xi32, #tpu.memory_space<vmem>> -> memref<1x128xi32, #tpu.memory_space<vmem>>
        %dma_start3A_244 = tpu.memref_squeeze %dma_start3A_243 : memref<1x128xi32, #tpu.memory_space<vmem>> -> memref<128xi32, #tpu.memory_space<vmem>>
        %dma_start3A_245 = arith.constant 0 : i32
        %dma_start3A_246 = arith.constant 0 : i32
        %dma_start3A_247 = tpu.memref_slice %arg3[%dma_start3A_245, %dma_start3A_246] : memref<2600000x16xf32, #tpu.memory_space<hbm>> -> memref<2600000x16xf32, #tpu.memory_space<hbm>>
        tpu.enqueue_indirect_dma source(%dma_start3A_247 : memref<2600000x16xf32, #tpu.memory_space<hbm>>) target(%dma_start3A_241 : memref<128x16xf32, #tpu.memory_space<vmem>>) offsets(%dma_start3A_244 : memref<128xi32, #tpu.memory_space<vmem>>) semaphore(%arg11 : memref<!tpu.dma_semaphore, #tpu.memory_space<semaphore_mem>>)
        %mul3A_248 = arith.constant 4 : i32
        %mul3A_249 = arith.muli %add3A_234, %mul3A_248 : i32
        %add3A_250 = arith.constant 1 : i32
        %add3A_251 = arith.addi %mul3A_249, %add3A_250 : i32
        %dma_start3A_252 = arith.constant 128 : i32
        %dma_start3A_253 = arith.constant 0 : i32
        %dma_start3A_254 = tpu.memref_slice %arg8[%dma_start3A_252, %dma_start3A_253] : memref<512x16xf32, #tpu.memory_space<vmem>> -> memref<128x16xf32, #tpu.memory_space<vmem>>
        %dma_start3A_255 = arith.constant 0 : i32
        %dma_start3A_256 = tpu.memref_slice %arg7[%add3A_251, %dma_start3A_255] : memref<104x128xi32, #tpu.memory_space<vmem>> -> memref<1x128xi32, #tpu.memory_space<vmem>>
        %dma_start3A_257 = tpu.memref_squeeze %dma_start3A_256 : memref<1x128xi32, #tpu.memory_space<vmem>> -> memref<128xi32, #tpu.memory_space<vmem>>
        %dma_start3A_258 = arith.constant 0 : i32
        %dma_start3A_259 = arith.constant 0 : i32
        %dma_start3A_260 = tpu.memref_slice %arg3[%dma_start3A_258, %dma_start3A_259] : memref<2600000x16xf32, #tpu.memory_space<hbm>> -> memref<2600000x16xf32, #tpu.memory_space<hbm>>
        tpu.enqueue_indirect_dma source(%dma_start3A_260 : memref<2600000x16xf32, #tpu.memory_space<hbm>>) target(%dma_start3A_254 : memref<128x16xf32, #tpu.memory_space<vmem>>) offsets(%dma_start3A_257 : memref<128xi32, #tpu.memory_space<vmem>>) semaphore(%arg11 : memref<!tpu.dma_semaphore, #tpu.memory_space<semaphore_mem>>)
        %mul3A_261 = arith.constant 4 : i32
        %mul3A_262 = arith.muli %add3A_234, %mul3A_261 : i32
        %add3A_263 = arith.constant 2 : i32
        %add3A_264 = arith.addi %mul3A_262, %add3A_263 : i32
        %dma_start3A_265 = arith.constant 256 : i32
        %dma_start3A_266 = arith.constant 0 : i32
        %dma_start3A_267 = tpu.memref_slice %arg8[%dma_start3A_265, %dma_start3A_266] : memref<512x16xf32, #tpu.memory_space<vmem>> -> memref<128x16xf32, #tpu.memory_space<vmem>>
        %dma_start3A_268 = arith.constant 0 : i32
        %dma_start3A_269 = tpu.memref_slice %arg7[%add3A_264, %dma_start3A_268] : memref<104x128xi32, #tpu.memory_space<vmem>> -> memref<1x128xi32, #tpu.memory_space<vmem>>
        %dma_start3A_270 = tpu.memref_squeeze %dma_start3A_269 : memref<1x128xi32, #tpu.memory_space<vmem>> -> memref<128xi32, #tpu.memory_space<vmem>>
        %dma_start3A_271 = arith.constant 0 : i32
        %dma_start3A_272 = arith.constant 0 : i32
        %dma_start3A_273 = tpu.memref_slice %arg3[%dma_start3A_271, %dma_start3A_272] : memref<2600000x16xf32, #tpu.memory_space<hbm>> -> memref<2600000x16xf32, #tpu.memory_space<hbm>>
        tpu.enqueue_indirect_dma source(%dma_start3A_273 : memref<2600000x16xf32, #tpu.memory_space<hbm>>) target(%dma_start3A_267 : memref<128x16xf32, #tpu.memory_space<vmem>>) offsets(%dma_start3A_270 : memref<128xi32, #tpu.memory_space<vmem>>) semaphore(%arg11 : memref<!tpu.dma_semaphore, #tpu.memory_space<semaphore_mem>>)
        %mul3A_274 = arith.constant 4 : i32
        %mul3A_275 = arith.muli %add3A_234, %mul3A_274 : i32
        %add3A_276 = arith.constant 3 : i32
        %add3A_277 = arith.addi %mul3A_275, %add3A_276 : i32
        %dma_start3A_278 = arith.constant 384 : i32
        %dma_start3A_279 = arith.constant 0 : i32
        %dma_start3A_280 = tpu.memref_slice %arg8[%dma_start3A_278, %dma_start3A_279] : memref<512x16xf32, #tpu.memory_space<vmem>> -> memref<128x16xf32, #tpu.memory_space<vmem>>
        %dma_start3A_281 = arith.constant 0 : i32
        %dma_start3A_282 = tpu.memref_slice %arg7[%add3A_277, %dma_start3A_281] : memref<104x128xi32, #tpu.memory_space<vmem>> -> memref<1x128xi32, #tpu.memory_space<vmem>>
        %dma_start3A_283 = tpu.memref_squeeze %dma_start3A_282 : memref<1x128xi32, #tpu.memory_space<vmem>> -> memref<128xi32, #tpu.memory_space<vmem>>
        %dma_start3A_284 = arith.constant 0 : i32
        %dma_start3A_285 = arith.constant 0 : i32
        %dma_start3A_286 = tpu.memref_slice %arg3[%dma_start3A_284, %dma_start3A_285] : memref<2600000x16xf32, #tpu.memory_space<hbm>> -> memref<2600000x16xf32, #tpu.memory_space<hbm>>
        tpu.enqueue_indirect_dma source(%dma_start3A_286 : memref<2600000x16xf32, #tpu.memory_space<hbm>>) target(%dma_start3A_280 : memref<128x16xf32, #tpu.memory_space<vmem>>) offsets(%dma_start3A_283 : memref<128xi32, #tpu.memory_space<vmem>>) semaphore(%arg11 : memref<!tpu.dma_semaphore, #tpu.memory_space<semaphore_mem>>)
      } else {
      }
      %add3A_174 = arith.constant 1 : i32
      %add3A_175 = arith.addi %mul3A_63, %add3A_174 : i32
      %mul3A_176 = arith.constant 4 : i32
      %mul3A_177 = arith.muli %add3A_175, %mul3A_176 : i32
      %add3A_178 = arith.constant 0 : i32
      %add3A_179 = arith.addi %mul3A_177, %add3A_178 : i32
      %dma_wait3A_180 = arith.constant 0 : i32
      %dma_wait3A_181 = arith.constant 0 : i32
      %dma_wait3A_182 = tpu.memref_slice %arg9[%dma_wait3A_180, %dma_wait3A_181] : memref<512x16xf32, #tpu.memory_space<vmem>> -> memref<128x16xf32, #tpu.memory_space<vmem>>
      %dma_wait3A_183 = arith.constant 0 : i32
      %dma_wait3A_184 = tpu.memref_slice %arg7[%add3A_179, %dma_wait3A_183] : memref<104x128xi32, #tpu.memory_space<vmem>> -> memref<1x128xi32, #tpu.memory_space<vmem>>
      %dma_wait3A_185 = tpu.memref_squeeze %dma_wait3A_184 : memref<1x128xi32, #tpu.memory_space<vmem>> -> memref<128xi32, #tpu.memory_space<vmem>>
      %dma_wait3A_186 = arith.constant 0 : i32
      %dma_wait3A_187 = arith.constant 0 : i32
      %dma_wait3A_188 = tpu.memref_slice %arg3[%dma_wait3A_186, %dma_wait3A_187] : memref<2600000x16xf32, #tpu.memory_space<hbm>> -> memref<2600000x16xf32, #tpu.memory_space<hbm>>
      tpu.wait_indirect_dma semaphore(%arg11 : memref<!tpu.dma_semaphore, #tpu.memory_space<semaphore_mem>>) src(%dma_wait3A_188 : memref<2600000x16xf32, #tpu.memory_space<hbm>>) dst(%dma_wait3A_182 : memref<128x16xf32, #tpu.memory_space<vmem>>)
      %mul3A_189 = arith.constant 4 : i32
      %mul3A_190 = arith.muli %add3A_175, %mul3A_189 : i32
      %add3A_191 = arith.constant 1 : i32
      %add3A_192 = arith.addi %mul3A_190, %add3A_191 : i32
      %dma_wait3A_193 = arith.constant 128 : i32
      %dma_wait3A_194 = arith.constant 0 : i32
      %dma_wait3A_195 = tpu.memref_slice %arg9[%dma_wait3A_193, %dma_wait3A_194] : memref<512x16xf32, #tpu.memory_space<vmem>> -> memref<128x16xf32, #tpu.memory_space<vmem>>
      %dma_wait3A_196 = arith.constant 0 : i32
      %dma_wait3A_197 = tpu.memref_slice %arg7[%add3A_192, %dma_wait3A_196] : memref<104x128xi32, #tpu.memory_space<vmem>> -> memref<1x128xi32, #tpu.memory_space<vmem>>
      %dma_wait3A_198 = tpu.memref_squeeze %dma_wait3A_197 : memref<1x128xi32, #tpu.memory_space<vmem>> -> memref<128xi32, #tpu.memory_space<vmem>>
      %dma_wait3A_199 = arith.constant 0 : i32
      %dma_wait3A_200 = arith.constant 0 : i32
      %dma_wait3A_201 = tpu.memref_slice %arg3[%dma_wait3A_199, %dma_wait3A_200] : memref<2600000x16xf32, #tpu.memory_space<hbm>> -> memref<2600000x16xf32, #tpu.memory_space<hbm>>
      tpu.wait_indirect_dma semaphore(%arg11 : memref<!tpu.dma_semaphore, #tpu.memory_space<semaphore_mem>>) src(%dma_wait3A_201 : memref<2600000x16xf32, #tpu.memory_space<hbm>>) dst(%dma_wait3A_195 : memref<128x16xf32, #tpu.memory_space<vmem>>)
      %mul3A_202 = arith.constant 4 : i32
      %mul3A_203 = arith.muli %add3A_175, %mul3A_202 : i32
      %add3A_204 = arith.constant 2 : i32
      %add3A_205 = arith.addi %mul3A_203, %add3A_204 : i32
      %dma_wait3A_206 = arith.constant 256 : i32
      %dma_wait3A_207 = arith.constant 0 : i32
      %dma_wait3A_208 = tpu.memref_slice %arg9[%dma_wait3A_206, %dma_wait3A_207] : memref<512x16xf32, #tpu.memory_space<vmem>> -> memref<128x16xf32, #tpu.memory_space<vmem>>
      %dma_wait3A_209 = arith.constant 0 : i32
      %dma_wait3A_210 = tpu.memref_slice %arg7[%add3A_205, %dma_wait3A_209] : memref<104x128xi32, #tpu.memory_space<vmem>> -> memref<1x128xi32, #tpu.memory_space<vmem>>
      %dma_wait3A_211 = tpu.memref_squeeze %dma_wait3A_210 : memref<1x128xi32, #tpu.memory_space<vmem>> -> memref<128xi32, #tpu.memory_space<vmem>>
      %dma_wait3A_212 = arith.constant 0 : i32
      %dma_wait3A_213 = arith.constant 0 : i32
      %dma_wait3A_214 = tpu.memref_slice %arg3[%dma_wait3A_212, %dma_wait3A_213] : memref<2600000x16xf32, #tpu.memory_space<hbm>> -> memref<2600000x16xf32, #tpu.memory_space<hbm>>
      tpu.wait_indirect_dma semaphore(%arg11 : memref<!tpu.dma_semaphore, #tpu.memory_space<semaphore_mem>>) src(%dma_wait3A_214 : memref<2600000x16xf32, #tpu.memory_space<hbm>>) dst(%dma_wait3A_208 : memref<128x16xf32, #tpu.memory_space<vmem>>)
      %mul3A_215 = arith.constant 4 : i32
      %mul3A_216 = arith.muli %add3A_175, %mul3A_215 : i32
      %add3A_217 = arith.constant 3 : i32
      %add3A_218 = arith.addi %mul3A_216, %add3A_217 : i32
      %dma_wait3A_219 = arith.constant 384 : i32
      %dma_wait3A_220 = arith.constant 0 : i32
      %dma_wait3A_221 = tpu.memref_slice %arg9[%dma_wait3A_219, %dma_wait3A_220] : memref<512x16xf32, #tpu.memory_space<vmem>> -> memref<128x16xf32, #tpu.memory_space<vmem>>
      %dma_wait3A_222 = arith.constant 0 : i32
      %dma_wait3A_223 = tpu.memref_slice %arg7[%add3A_218, %dma_wait3A_222] : memref<104x128xi32, #tpu.memory_space<vmem>> -> memref<1x128xi32, #tpu.memory_space<vmem>>
      %dma_wait3A_224 = tpu.memref_squeeze %dma_wait3A_223 : memref<1x128xi32, #tpu.memory_space<vmem>> -> memref<128xi32, #tpu.memory_space<vmem>>
      %dma_wait3A_225 = arith.constant 0 : i32
      %dma_wait3A_226 = arith.constant 0 : i32
      %dma_wait3A_227 = tpu.memref_slice %arg3[%dma_wait3A_225, %dma_wait3A_226] : memref<2600000x16xf32, #tpu.memory_space<hbm>> -> memref<2600000x16xf32, #tpu.memory_space<hbm>>
      tpu.wait_indirect_dma semaphore(%arg11 : memref<!tpu.dma_semaphore, #tpu.memory_space<semaphore_mem>>) src(%dma_wait3A_227 : memref<2600000x16xf32, #tpu.memory_space<hbm>>) dst(%dma_wait3A_221 : memref<128x16xf32, #tpu.memory_space<vmem>>)
      %add3A_228 = arith.constant 1 : i32
      %add3A_229 = arith.addi %mul3A_63, %add3A_228 : i32
      %mul3A_230 = arith.constant 512 : i32
      %mul3A_231 = arith.muli %add3A_229, %mul3A_230 : i32
      %add3A_232 = arith.addi %mul3A_2, %mul3A_231 : i32
      "tpu.region"() ({
        %run_scoped3A = tpu.sem_alloc : memref<!tpu.dma_semaphore, #tpu.memory_space<semaphore_mem>>
        %dma_start3A_233 = arith.constant 0 : i32
        %dma_start3A_234 = tpu.memref_slice %arg5[%add3A_232, %dma_start3A_233] : memref<425984x16xf32, #tpu.memory_space<hbm>> -> memref<512x16xf32, #tpu.memory_space<hbm>>
        %dma_start3A_235 = arith.constant 0 : i32
        %dma_start3A_236 = tpu.memref_slice %arg5[%add3A_232, %dma_start3A_235] : memref<425984x16xf32, #tpu.memory_space<hbm>> -> memref<512x16xf32, #tpu.memory_space<hbm>>
        tpu.enqueue_dma source(%arg9 : memref<512x16xf32, #tpu.memory_space<vmem>>) target(%dma_start3A_236 : memref<512x16xf32, #tpu.memory_space<hbm>>) target_semaphore(%run_scoped3A : memref<!tpu.dma_semaphore, #tpu.memory_space<semaphore_mem>>)
        %dma_wait3A_237 = arith.constant 0 : i32
        %dma_wait3A_238 = tpu.memref_slice %arg5[%add3A_232, %dma_wait3A_237] : memref<425984x16xf32, #tpu.memory_space<hbm>> -> memref<512x16xf32, #tpu.memory_space<hbm>>
        %dma_wait3A_239 = arith.constant 0 : i32
        %dma_wait3A_240 = tpu.memref_slice %arg5[%add3A_232, %dma_wait3A_239] : memref<425984x16xf32, #tpu.memory_space<hbm>> -> memref<512x16xf32, #tpu.memory_space<hbm>>
        tpu.wait_dma2 semaphore(%run_scoped3A : memref<!tpu.dma_semaphore, #tpu.memory_space<semaphore_mem>>) src(%arg9 : memref<512x16xf32, #tpu.memory_space<vmem>>) dst(%dma_wait3A_240 : memref<512x16xf32, #tpu.memory_space<hbm>>)
        tpu.yield
      }) : () -> ()
    }
    %scan3A_54 = arith.constant 13 : i32
    %scan3A_55 = arith.constant 0 : i32
    %scan3A_56 = arith.constant 0 : i32
    %scan3A_57 = arith.constant 13 : i32
    %scan3A_58 = arith.addi %scan3A_56, %scan3A_57 : i32
    %scan3A_59 = arith.constant 1 : i32
    scf.for %scan3A_61 = %scan3A_56 to %scan3A_58 step %scan3A_59  : i32 {
      %mul3A_62 = arith.constant 8 : i32
      %mul3A_63 = arith.muli %scan3A_61, %mul3A_62 : i32
      %add3A_64 = arith.constant 0 : i32
      %add3A_65 = arith.addi %mul3A_63, %add3A_64 : i32
      %mul3A_66 = arith.constant 8 : i32
      %mul3A_67 = arith.muli %scan3A_61, %mul3A_66 : i32
      %add3A_68 = arith.constant 0 : i32
      %add3A_69 = arith.addi %mul3A_67, %add3A_68 : i32
      %mul3A_70 = arith.constant 128 : i32
      %mul3A_71 = arith.muli %add3A_69, %mul3A_70 : i32
      %dma_wait3A = tpu.memref_slice %arg10[%mul3A_71] : memref<13312xf32, #tpu.memory_space<vmem>> -> memref<128xf32, #tpu.memory_space<vmem>>
      %dma_wait3A_72 = arith.constant 0 : i32
      %dma_wait3A_73 = tpu.memref_slice %arg7[%add3A_65, %dma_wait3A_72] : memref<104x128xi32, #tpu.memory_space<vmem>> -> memref<1x128xi32, #tpu.memory_space<vmem>>
      %dma_wait3A_74 = tpu.memref_squeeze %dma_wait3A_73 : memref<1x128xi32, #tpu.memory_space<vmem>> -> memref<128xi32, #tpu.memory_space<vmem>>
      %dma_wait3A_75 = arith.constant 0 : i32
      %dma_wait3A_76 = tpu.memref_slice %arg4[%dma_wait3A_75] : memref<2600000xf32, #tpu.memory_space<hbm>> -> memref<2600000xf32, #tpu.memory_space<hbm>>
      tpu.wait_indirect_dma semaphore(%arg12 : memref<!tpu.dma_semaphore, #tpu.memory_space<semaphore_mem>>) src(%dma_wait3A_76 : memref<2600000xf32, #tpu.memory_space<hbm>>) dst(%dma_wait3A : memref<128xf32, #tpu.memory_space<vmem>>)
      %mul3A_77 = arith.constant 8 : i32
      %mul3A_78 = arith.muli %scan3A_61, %mul3A_77 : i32
      %add3A_79 = arith.constant 1 : i32
      %add3A_80 = arith.addi %mul3A_78, %add3A_79 : i32
      %mul3A_81 = arith.constant 8 : i32
      %mul3A_82 = arith.muli %scan3A_61, %mul3A_81 : i32
      %add3A_83 = arith.constant 1 : i32
      %add3A_84 = arith.addi %mul3A_82, %add3A_83 : i32
      %mul3A_85 = arith.constant 128 : i32
      %mul3A_86 = arith.muli %add3A_84, %mul3A_85 : i32
      %dma_wait3A_87 = tpu.memref_slice %arg10[%mul3A_86] : memref<13312xf32, #tpu.memory_space<vmem>> -> memref<128xf32, #tpu.memory_space<vmem>>
      %dma_wait3A_88 = arith.constant 0 : i32
      %dma_wait3A_89 = tpu.memref_slice %arg7[%add3A_80, %dma_wait3A_88] : memref<104x128xi32, #tpu.memory_space<vmem>> -> memref<1x128xi32, #tpu.memory_space<vmem>>
      %dma_wait3A_90 = tpu.memref_squeeze %dma_wait3A_89 : memref<1x128xi32, #tpu.memory_space<vmem>> -> memref<128xi32, #tpu.memory_space<vmem>>
      %dma_wait3A_91 = arith.constant 0 : i32
      %dma_wait3A_92 = tpu.memref_slice %arg4[%dma_wait3A_91] : memref<2600000xf32, #tpu.memory_space<hbm>> -> memref<2600000xf32, #tpu.memory_space<hbm>>
      tpu.wait_indirect_dma semaphore(%arg12 : memref<!tpu.dma_semaphore, #tpu.memory_space<semaphore_mem>>) src(%dma_wait3A_92 : memref<2600000xf32, #tpu.memory_space<hbm>>) dst(%dma_wait3A_87 : memref<128xf32, #tpu.memory_space<vmem>>)
      %mul3A_93 = arith.constant 8 : i32
      %mul3A_94 = arith.muli %scan3A_61, %mul3A_93 : i32
      %add3A_95 = arith.constant 2 : i32
      %add3A_96 = arith.addi %mul3A_94, %add3A_95 : i32
      %mul3A_97 = arith.constant 8 : i32
      %mul3A_98 = arith.muli %scan3A_61, %mul3A_97 : i32
      %add3A_99 = arith.constant 2 : i32
      %add3A_100 = arith.addi %mul3A_98, %add3A_99 : i32
      %mul3A_101 = arith.constant 128 : i32
      %mul3A_102 = arith.muli %add3A_100, %mul3A_101 : i32
      %dma_wait3A_103 = tpu.memref_slice %arg10[%mul3A_102] : memref<13312xf32, #tpu.memory_space<vmem>> -> memref<128xf32, #tpu.memory_space<vmem>>
      %dma_wait3A_104 = arith.constant 0 : i32
      %dma_wait3A_105 = tpu.memref_slice %arg7[%add3A_96, %dma_wait3A_104] : memref<104x128xi32, #tpu.memory_space<vmem>> -> memref<1x128xi32, #tpu.memory_space<vmem>>
      %dma_wait3A_106 = tpu.memref_squeeze %dma_wait3A_105 : memref<1x128xi32, #tpu.memory_space<vmem>> -> memref<128xi32, #tpu.memory_space<vmem>>
      %dma_wait3A_107 = arith.constant 0 : i32
      %dma_wait3A_108 = tpu.memref_slice %arg4[%dma_wait3A_107] : memref<2600000xf32, #tpu.memory_space<hbm>> -> memref<2600000xf32, #tpu.memory_space<hbm>>
      tpu.wait_indirect_dma semaphore(%arg12 : memref<!tpu.dma_semaphore, #tpu.memory_space<semaphore_mem>>) src(%dma_wait3A_108 : memref<2600000xf32, #tpu.memory_space<hbm>>) dst(%dma_wait3A_103 : memref<128xf32, #tpu.memory_space<vmem>>)
      %mul3A_109 = arith.constant 8 : i32
      %mul3A_110 = arith.muli %scan3A_61, %mul3A_109 : i32
      %add3A_111 = arith.constant 3 : i32
      %add3A_112 = arith.addi %mul3A_110, %add3A_111 : i32
      %mul3A_113 = arith.constant 8 : i32
      %mul3A_114 = arith.muli %scan3A_61, %mul3A_113 : i32
      %add3A_115 = arith.constant 3 : i32
      %add3A_116 = arith.addi %mul3A_114, %add3A_115 : i32
      %mul3A_117 = arith.constant 128 : i32
      %mul3A_118 = arith.muli %add3A_116, %mul3A_117 : i32
      %dma_wait3A_119 = tpu.memref_slice %arg10[%mul3A_118] : memref<13312xf32, #tpu.memory_space<vmem>> -> memref<128xf32, #tpu.memory_space<vmem>>
      %dma_wait3A_120 = arith.constant 0 : i32
      %dma_wait3A_121 = tpu.memref_slice %arg7[%add3A_112, %dma_wait3A_120] : memref<104x128xi32, #tpu.memory_space<vmem>> -> memref<1x128xi32, #tpu.memory_space<vmem>>
      %dma_wait3A_122 = tpu.memref_squeeze %dma_wait3A_121 : memref<1x128xi32, #tpu.memory_space<vmem>> -> memref<128xi32, #tpu.memory_space<vmem>>
      %dma_wait3A_123 = arith.constant 0 : i32
      %dma_wait3A_124 = tpu.memref_slice %arg4[%dma_wait3A_123] : memref<2600000xf32, #tpu.memory_space<hbm>> -> memref<2600000xf32, #tpu.memory_space<hbm>>
      tpu.wait_indirect_dma semaphore(%arg12 : memref<!tpu.dma_semaphore, #tpu.memory_space<semaphore_mem>>) src(%dma_wait3A_124 : memref<2600000xf32, #tpu.memory_space<hbm>>) dst(%dma_wait3A_119 : memref<128xf32, #tpu.memory_space<vmem>>)
      %mul3A_125 = arith.constant 8 : i32
      %mul3A_126 = arith.muli %scan3A_61, %mul3A_125 : i32
      %add3A_127 = arith.constant 4 : i32
      %add3A_128 = arith.addi %mul3A_126, %add3A_127 : i32
      %mul3A_129 = arith.constant 8 : i32
      %mul3A_130 = arith.muli %scan3A_61, %mul3A_129 : i32
      %add3A_131 = arith.constant 4 : i32
      %add3A_132 = arith.addi %mul3A_130, %add3A_131 : i32
      %mul3A_133 = arith.constant 128 : i32
      %mul3A_134 = arith.muli %add3A_132, %mul3A_133 : i32
      %dma_wait3A_135 = tpu.memref_slice %arg10[%mul3A_134] : memref<13312xf32, #tpu.memory_space<vmem>> -> memref<128xf32, #tpu.memory_space<vmem>>
      %dma_wait3A_136 = arith.constant 0 : i32
      %dma_wait3A_137 = tpu.memref_slice %arg7[%add3A_128, %dma_wait3A_136] : memref<104x128xi32, #tpu.memory_space<vmem>> -> memref<1x128xi32, #tpu.memory_space<vmem>>
      %dma_wait3A_138 = tpu.memref_squeeze %dma_wait3A_137 : memref<1x128xi32, #tpu.memory_space<vmem>> -> memref<128xi32, #tpu.memory_space<vmem>>
      %dma_wait3A_139 = arith.constant 0 : i32
      %dma_wait3A_140 = tpu.memref_slice %arg4[%dma_wait3A_139] : memref<2600000xf32, #tpu.memory_space<hbm>> -> memref<2600000xf32, #tpu.memory_space<hbm>>
      tpu.wait_indirect_dma semaphore(%arg12 : memref<!tpu.dma_semaphore, #tpu.memory_space<semaphore_mem>>) src(%dma_wait3A_140 : memref<2600000xf32, #tpu.memory_space<hbm>>) dst(%dma_wait3A_135 : memref<128xf32, #tpu.memory_space<vmem>>)
      %mul3A_141 = arith.constant 8 : i32
      %mul3A_142 = arith.muli %scan3A_61, %mul3A_141 : i32
      %add3A_143 = arith.constant 5 : i32
      %add3A_144 = arith.addi %mul3A_142, %add3A_143 : i32
      %mul3A_145 = arith.constant 8 : i32
      %mul3A_146 = arith.muli %scan3A_61, %mul3A_145 : i32
      %add3A_147 = arith.constant 5 : i32
      %add3A_148 = arith.addi %mul3A_146, %add3A_147 : i32
      %mul3A_149 = arith.constant 128 : i32
      %mul3A_150 = arith.muli %add3A_148, %mul3A_149 : i32
      %dma_wait3A_151 = tpu.memref_slice %arg10[%mul3A_150] : memref<13312xf32, #tpu.memory_space<vmem>> -> memref<128xf32, #tpu.memory_space<vmem>>
      %dma_wait3A_152 = arith.constant 0 : i32
      %dma_wait3A_153 = tpu.memref_slice %arg7[%add3A_144, %dma_wait3A_152] : memref<104x128xi32, #tpu.memory_space<vmem>> -> memref<1x128xi32, #tpu.memory_space<vmem>>
      %dma_wait3A_154 = tpu.memref_squeeze %dma_wait3A_153 : memref<1x128xi32, #tpu.memory_space<vmem>> -> memref<128xi32, #tpu.memory_space<vmem>>
      %dma_wait3A_155 = arith.constant 0 : i32
      %dma_wait3A_156 = tpu.memref_slice %arg4[%dma_wait3A_155] : memref<2600000xf32, #tpu.memory_space<hbm>> -> memref<2600000xf32, #tpu.memory_space<hbm>>
      tpu.wait_indirect_dma semaphore(%arg12 : memref<!tpu.dma_semaphore, #tpu.memory_space<semaphore_mem>>) src(%dma_wait3A_156 : memref<2600000xf32, #tpu.memory_space<hbm>>) dst(%dma_wait3A_151 : memref<128xf32, #tpu.memory_space<vmem>>)
      %mul3A_157 = arith.constant 8 : i32
      %mul3A_158 = arith.muli %scan3A_61, %mul3A_157 : i32
      %add3A_159 = arith.constant 6 : i32
      %add3A_160 = arith.addi %mul3A_158, %add3A_159 : i32
      %mul3A_161 = arith.constant 8 : i32
      %mul3A_162 = arith.muli %scan3A_61, %mul3A_161 : i32
      %add3A_163 = arith.constant 6 : i32
      %add3A_164 = arith.addi %mul3A_162, %add3A_163 : i32
      %mul3A_165 = arith.constant 128 : i32
      %mul3A_166 = arith.muli %add3A_164, %mul3A_165 : i32
      %dma_wait3A_167 = tpu.memref_slice %arg10[%mul3A_166] : memref<13312xf32, #tpu.memory_space<vmem>> -> memref<128xf32, #tpu.memory_space<vmem>>
      %dma_wait3A_168 = arith.constant 0 : i32
      %dma_wait3A_169 = tpu.memref_slice %arg7[%add3A_160, %dma_wait3A_168] : memref<104x128xi32, #tpu.memory_space<vmem>> -> memref<1x128xi32, #tpu.memory_space<vmem>>
      %dma_wait3A_170 = tpu.memref_squeeze %dma_wait3A_169 : memref<1x128xi32, #tpu.memory_space<vmem>> -> memref<128xi32, #tpu.memory_space<vmem>>
      %dma_wait3A_171 = arith.constant 0 : i32
      %dma_wait3A_172 = tpu.memref_slice %arg4[%dma_wait3A_171] : memref<2600000xf32, #tpu.memory_space<hbm>> -> memref<2600000xf32, #tpu.memory_space<hbm>>
      tpu.wait_indirect_dma semaphore(%arg12 : memref<!tpu.dma_semaphore, #tpu.memory_space<semaphore_mem>>) src(%dma_wait3A_172 : memref<2600000xf32, #tpu.memory_space<hbm>>) dst(%dma_wait3A_167 : memref<128xf32, #tpu.memory_space<vmem>>)
      %mul3A_173 = arith.constant 8 : i32
      %mul3A_174 = arith.muli %scan3A_61, %mul3A_173 : i32
      %add3A_175 = arith.constant 7 : i32
      %add3A_176 = arith.addi %mul3A_174, %add3A_175 : i32
      %mul3A_177 = arith.constant 8 : i32
      %mul3A_178 = arith.muli %scan3A_61, %mul3A_177 : i32
      %add3A_179 = arith.constant 7 : i32
      %add3A_180 = arith.addi %mul3A_178, %add3A_179 : i32
      %mul3A_181 = arith.constant 128 : i32
      %mul3A_182 = arith.muli %add3A_180, %mul3A_181 : i32
      %dma_wait3A_183 = tpu.memref_slice %arg10[%mul3A_182] : memref<13312xf32, #tpu.memory_space<vmem>> -> memref<128xf32, #tpu.memory_space<vmem>>
      %dma_wait3A_184 = arith.constant 0 : i32
      %dma_wait3A_185 = tpu.memref_slice %arg7[%add3A_176, %dma_wait3A_184] : memref<104x128xi32, #tpu.memory_space<vmem>> -> memref<1x128xi32, #tpu.memory_space<vmem>>
      %dma_wait3A_186 = tpu.memref_squeeze %dma_wait3A_185 : memref<1x128xi32, #tpu.memory_space<vmem>> -> memref<128xi32, #tpu.memory_space<vmem>>
      %dma_wait3A_187 = arith.constant 0 : i32
      %dma_wait3A_188 = tpu.memref_slice %arg4[%dma_wait3A_187] : memref<2600000xf32, #tpu.memory_space<hbm>> -> memref<2600000xf32, #tpu.memory_space<hbm>>
      tpu.wait_indirect_dma semaphore(%arg12 : memref<!tpu.dma_semaphore, #tpu.memory_space<semaphore_mem>>) src(%dma_wait3A_188 : memref<2600000xf32, #tpu.memory_space<hbm>>) dst(%dma_wait3A_183 : memref<128xf32, #tpu.memory_space<vmem>>)
    }
    %scan3A_60 = arith.constant 13 : i32
    "tpu.region"() ({
      %run_scoped3A = tpu.sem_alloc : memref<!tpu.dma_semaphore, #tpu.memory_space<semaphore_mem>>
      %dma_start3A_61 = tpu.memref_slice %arg6[%mul3A_2] : memref<425984xf32, #tpu.memory_space<hbm>> -> memref<13312xf32, #tpu.memory_space<hbm>>
      %dma_start3A_62 = tpu.memref_slice %arg6[%mul3A_2] : memref<425984xf32, #tpu.memory_space<hbm>> -> memref<13312xf32, #tpu.memory_space<hbm>>
      tpu.enqueue_dma source(%arg10 : memref<13312xf32, #tpu.memory_space<vmem>>) target(%dma_start3A_62 : memref<13312xf32, #tpu.memory_space<hbm>>) target_semaphore(%run_scoped3A : memref<!tpu.dma_semaphore, #tpu.memory_space<semaphore_mem>>)
      %dma_wait3A = tpu.memref_slice %arg6[%mul3A_2] : memref<425984xf32, #tpu.memory_space<hbm>> -> memref<13312xf32, #tpu.memory_space<hbm>>
      %dma_wait3A_63 = tpu.memref_slice %arg6[%mul3A_2] : memref<425984xf32, #tpu.memory_space<hbm>> -> memref<13312xf32, #tpu.memory_space<hbm>>
      tpu.wait_dma2 semaphore(%run_scoped3A : memref<!tpu.dma_semaphore, #tpu.memory_space<semaphore_mem>>) src(%arg10 : memref<13312xf32, #tpu.memory_space<vmem>>) dst(%dma_wait3A_63 : memref<13312xf32, #tpu.memory_space<hbm>>)
      tpu.yield
    }) : () -> ()
    return
  }
}

module attributes {stable_mosaic.version = 14 : i64} {
  func.func @_mlp_body(%arg0: i32, %arg1: memref<2048x26xf32, #tpu.memory_space<vmem>>, %arg2: memref<2048x416xf32, #tpu.memory_space<vmem>>, %arg3: memref<26x128xf32, #tpu.memory_space<vmem>>, %arg4: memref<416x128xf32, #tpu.memory_space<vmem>>, %arg5: memref<1x128xf32, #tpu.memory_space<vmem>>, %arg6: memref<128x64xf32, #tpu.memory_space<vmem>>, %arg7: memref<1x64xf32, #tpu.memory_space<vmem>>, %arg8: memref<64x32xf32, #tpu.memory_space<vmem>>, %arg9: memref<1x32xf32, #tpu.memory_space<vmem>>, %arg10: memref<32x1xf32, #tpu.memory_space<vmem>>, %arg11: memref<1x1xf32, #tpu.memory_space<vmem>>, %arg12: memref<2048x1xf32, #tpu.memory_space<vmem>>) attributes {dimension_semantics = [#tpu.dimension_semantics<arbitrary>], iteration_bounds = array<i64: 8>, scalar_prefetch = 0 : i64, scratch_operands = 0 : i64, tpu.core_type = #tpu.core_type<tc>, window_params = [{transform_indices = @transform_0, window_bounds = array<i64: 2048, 26>}, {transform_indices = @transform_1, window_bounds = array<i64: 2048, 416>}, {pipeline_mode = #tpu.pipeline_mode<synchronous>, transform_indices = @transform_2, window_bounds = array<i64: 26, 128>}, {pipeline_mode = #tpu.pipeline_mode<synchronous>, transform_indices = @transform_3, window_bounds = array<i64: 416, 128>}, {pipeline_mode = #tpu.pipeline_mode<synchronous>, transform_indices = @transform_4, window_bounds = array<i64: 1, 128>}, {pipeline_mode = #tpu.pipeline_mode<synchronous>, transform_indices = @transform_5, window_bounds = array<i64: 128, 64>}, {pipeline_mode = #tpu.pipeline_mode<synchronous>, transform_indices = @transform_6, window_bounds = array<i64: 1, 64>}, {pipeline_mode = #tpu.pipeline_mode<synchronous>, transform_indices = @transform_7, window_bounds = array<i64: 64, 32>}, {pipeline_mode = #tpu.pipeline_mode<synchronous>, transform_indices = @transform_8, window_bounds = array<i64: 1, 32>}, {pipeline_mode = #tpu.pipeline_mode<synchronous>, transform_indices = @transform_9, window_bounds = array<i64: 32, 1>}, {pipeline_mode = #tpu.pipeline_mode<synchronous>, transform_indices = @transform_10, window_bounds = array<i64: 1, 1>}, {transform_indices = @transform_11, window_bounds = array<i64: 2048, 1>}]} {
    %get3A = arith.constant 0 : index
    %get3A_0 = arith.constant 0 : index
    %get3A_1 = vector.load %arg1[%get3A, %get3A_0] : memref<2048x26xf32, #tpu.memory_space<vmem>>, vector<2048x26xf32>
    %get3A_2 = arith.constant 0 : index
    %get3A_3 = arith.constant 0 : index
    %get3A_4 = vector.load %arg3[%get3A_2, %get3A_3] : memref<26x128xf32, #tpu.memory_space<vmem>>, vector<26x128xf32>
    %dot_general3A = arith.constant dense<0.000000e+00> : vector<2048x128xf32>
    %dot_general3A_5 = tpu.matmul %get3A_1, %get3A_4, %dot_general3A {dimension_numbers = #tpu.dot_dimension_numbers<[1], [0], [0], [1], [0, 0, 1, 1], [], []>, transpose_lhs_hint = false} : vector<2048x26xf32>, vector<26x128xf32>, vector<2048x128xf32> -> vector<2048x128xf32>
    %get3A_6 = arith.constant 0 : index
    %get3A_7 = arith.constant 0 : index
    %get3A_8 = vector.load %arg2[%get3A_6, %get3A_7] : memref<2048x416xf32, #tpu.memory_space<vmem>>, vector<2048x416xf32>
    %get3A_9 = arith.constant 0 : index
    %get3A_10 = arith.constant 0 : index
    %get3A_11 = vector.load %arg4[%get3A_9, %get3A_10] : memref<416x128xf32, #tpu.memory_space<vmem>>, vector<416x128xf32>
    %dot_general3A_12 = arith.constant dense<0.000000e+00> : vector<2048x128xf32>
    %dot_general3A_13 = tpu.matmul %get3A_8, %get3A_11, %dot_general3A_12 {dimension_numbers = #tpu.dot_dimension_numbers<[1], [0], [0], [1], [0, 0, 1, 1], [], []>, transpose_lhs_hint = false} : vector<2048x416xf32>, vector<416x128xf32>, vector<2048x128xf32> -> vector<2048x128xf32>
    %add3A = arith.addf %dot_general3A_5, %dot_general3A_13 : vector<2048x128xf32>
    %get3A_14 = arith.constant 0 : index
    %get3A_15 = arith.constant 0 : index
    %get3A_16 = vector.load %arg5[%get3A_14, %get3A_15] : memref<1x128xf32, #tpu.memory_space<vmem>>, vector<1x128xf32>
    %add3A_17 = vector.broadcast %get3A_16 : vector<1x128xf32> to vector<2048x128xf32>
    %add3A_18 = arith.addf %add3A, %add3A_17 : vector<2048x128xf32>
    %max3A = arith.constant 0.000000e+00 : f32
    %max3A_19 = vector.broadcast %max3A : f32 to vector<2048x128xf32>
    %max3A_20 = arith.maximumf %add3A_18, %max3A_19 : vector<2048x128xf32>
    %get3A_21 = arith.constant 0 : index
    %get3A_22 = arith.constant 0 : index
    %get3A_23 = vector.load %arg6[%get3A_21, %get3A_22] : memref<128x64xf32, #tpu.memory_space<vmem>>, vector<128x64xf32>
    %dot_general3A_24 = arith.constant dense<0.000000e+00> : vector<2048x64xf32>
    %dot_general3A_25 = tpu.matmul %max3A_20, %get3A_23, %dot_general3A_24 {dimension_numbers = #tpu.dot_dimension_numbers<[1], [0], [0], [1], [0, 0, 1, 1], [], []>, transpose_lhs_hint = false} : vector<2048x128xf32>, vector<128x64xf32>, vector<2048x64xf32> -> vector<2048x64xf32>
    %get3A_26 = arith.constant 0 : index
    %get3A_27 = arith.constant 0 : index
    %get3A_28 = vector.load %arg7[%get3A_26, %get3A_27] : memref<1x64xf32, #tpu.memory_space<vmem>>, vector<1x64xf32>
    %add3A_29 = vector.broadcast %get3A_28 : vector<1x64xf32> to vector<2048x64xf32>
    %add3A_30 = arith.addf %dot_general3A_25, %add3A_29 : vector<2048x64xf32>
    %max3A_31 = arith.constant 0.000000e+00 : f32
    %max3A_32 = vector.broadcast %max3A_31 : f32 to vector<2048x64xf32>
    %max3A_33 = arith.maximumf %add3A_30, %max3A_32 : vector<2048x64xf32>
    %get3A_34 = arith.constant 0 : index
    %get3A_35 = arith.constant 0 : index
    %get3A_36 = vector.load %arg8[%get3A_34, %get3A_35] : memref<64x32xf32, #tpu.memory_space<vmem>>, vector<64x32xf32>
    %dot_general3A_37 = arith.constant dense<0.000000e+00> : vector<2048x32xf32>
    %dot_general3A_38 = tpu.matmul %max3A_33, %get3A_36, %dot_general3A_37 {dimension_numbers = #tpu.dot_dimension_numbers<[1], [0], [0], [1], [0, 0, 1, 1], [], []>, transpose_lhs_hint = false} : vector<2048x64xf32>, vector<64x32xf32>, vector<2048x32xf32> -> vector<2048x32xf32>
    %get3A_39 = arith.constant 0 : index
    %get3A_40 = arith.constant 0 : index
    %get3A_41 = vector.load %arg9[%get3A_39, %get3A_40] : memref<1x32xf32, #tpu.memory_space<vmem>>, vector<1x32xf32>
    %add3A_42 = vector.broadcast %get3A_41 : vector<1x32xf32> to vector<2048x32xf32>
    %add3A_43 = arith.addf %dot_general3A_38, %add3A_42 : vector<2048x32xf32>
    %max3A_44 = arith.constant 0.000000e+00 : f32
    %max3A_45 = vector.broadcast %max3A_44 : f32 to vector<2048x32xf32>
    %max3A_46 = arith.maximumf %add3A_43, %max3A_45 : vector<2048x32xf32>
    %get3A_47 = arith.constant 0 : index
    %get3A_48 = arith.constant 0 : index
    %get3A_49 = vector.load %arg10[%get3A_47, %get3A_48] : memref<32x1xf32, #tpu.memory_space<vmem>>, vector<32x1xf32>
    %dot_general3A_50 = arith.constant dense<0.000000e+00> : vector<2048x1xf32>
    %dot_general3A_51 = tpu.matmul %max3A_46, %get3A_49, %dot_general3A_50 {dimension_numbers = #tpu.dot_dimension_numbers<[1], [0], [0], [1], [0, 0, 1, 1], [], []>, transpose_lhs_hint = false} : vector<2048x32xf32>, vector<32x1xf32>, vector<2048x1xf32> -> vector<2048x1xf32>
    %get3A_52 = arith.constant 0 : index
    %get3A_53 = arith.constant 0 : index
    %get3A_54 = vector.load %arg11[%get3A_52, %get3A_53] : memref<1x1xf32, #tpu.memory_space<vmem>>, vector<1x1xf32>
    %add3A_55 = vector.broadcast %get3A_54 : vector<1x1xf32> to vector<2048x1xf32>
    %add3A_56 = arith.addf %dot_general3A_51, %add3A_55 : vector<2048x1xf32>
    %neg3A = arith.constant 0.000000e+00 : f32
    %neg3A_57 = vector.broadcast %neg3A : f32 to vector<2048x1xf32>
    %neg3A_58 = arith.subf %neg3A_57, %add3A_56 : vector<2048x1xf32>
    %exp3A = math.exp %neg3A_58 : vector<2048x1xf32>
    %add3A_59 = arith.constant 1.000000e+00 : f32
    %add3A_60 = vector.broadcast %add3A_59 : f32 to vector<2048x1xf32>
    %add3A_61 = arith.addf %add3A_60, %exp3A : vector<2048x1xf32>
    %div3A = arith.constant 1.000000e+00 : f32
    %div3A_62 = vector.broadcast %div3A : f32 to vector<2048x1xf32>
    %div3A_63 = arith.divf %div3A_62, %add3A_61 : vector<2048x1xf32>
    %swap3A = arith.constant 0 : index
    %swap3A_64 = arith.constant 0 : index
    %swap3A_65 = vector.load %arg12[%swap3A, %swap3A_64] : memref<2048x1xf32, #tpu.memory_space<vmem>>, vector<2048x1xf32>
    tpu.vector_store %arg12[%swap3A, %swap3A_64], %div3A_63 {strides = array<i32>} : memref<2048x1xf32, #tpu.memory_space<vmem>>, vector<2048x1xf32>,
    return
  }
  func.func @transform_0(%arg0: i32) -> (i32, i32) {
    %c0_i32 = arith.constant 0 : i32
    %c0_i32_0 = arith.constant 0 : i32
    return %arg0, %c0_i32 : i32, i32
  }
  func.func @transform_1(%arg0: i32) -> (i32, i32) {
    %c0_i32 = arith.constant 0 : i32
    %c0_i32_0 = arith.constant 0 : i32
    return %arg0, %c0_i32 : i32, i32
  }
  func.func @transform_2(%arg0: i32) -> (i32, i32) {
    %c0_i32 = arith.constant 0 : i32
    %c0_i32_0 = arith.constant 0 : i32
    %c0_i32_1 = arith.constant 0 : i32
    return %c0_i32, %c0_i32_0 : i32, i32
  }
  func.func @transform_3(%arg0: i32) -> (i32, i32) {
    %c0_i32 = arith.constant 0 : i32
    %c0_i32_0 = arith.constant 0 : i32
    %c0_i32_1 = arith.constant 0 : i32
    return %c0_i32, %c0_i32_0 : i32, i32
  }
  func.func @transform_4(%arg0: i32) -> (i32, i32) {
    %c0_i32 = arith.constant 0 : i32
    %c0_i32_0 = arith.constant 0 : i32
    %c0_i32_1 = arith.constant 0 : i32
    return %c0_i32, %c0_i32_0 : i32, i32
  }
  func.func @transform_5(%arg0: i32) -> (i32, i32) {
    %c0_i32 = arith.constant 0 : i32
    %c0_i32_0 = arith.constant 0 : i32
    %c0_i32_1 = arith.constant 0 : i32
    return %c0_i32, %c0_i32_0 : i32, i32
  }
  func.func @transform_6(%arg0: i32) -> (i32, i32) {
    %c0_i32 = arith.constant 0 : i32
    %c0_i32_0 = arith.constant 0 : i32
    %c0_i32_1 = arith.constant 0 : i32
    return %c0_i32, %c0_i32_0 : i32, i32
  }
  func.func @transform_7(%arg0: i32) -> (i32, i32) {
    %c0_i32 = arith.constant 0 : i32
    %c0_i32_0 = arith.constant 0 : i32
    %c0_i32_1 = arith.constant 0 : i32
    return %c0_i32, %c0_i32_0 : i32, i32
  }
  func.func @transform_8(%arg0: i32) -> (i32, i32) {
    %c0_i32 = arith.constant 0 : i32
    %c0_i32_0 = arith.constant 0 : i32
    %c0_i32_1 = arith.constant 0 : i32
    return %c0_i32, %c0_i32_0 : i32, i32
  }
  func.func @transform_9(%arg0: i32) -> (i32, i32) {
    %c0_i32 = arith.constant 0 : i32
    %c0_i32_0 = arith.constant 0 : i32
    %c0_i32_1 = arith.constant 0 : i32
    return %c0_i32, %c0_i32_0 : i32, i32
  }
  func.func @transform_10(%arg0: i32) -> (i32, i32) {
    %c0_i32 = arith.constant 0 : i32
    %c0_i32_0 = arith.constant 0 : i32
    %c0_i32_1 = arith.constant 0 : i32
    return %c0_i32, %c0_i32_0 : i32, i32
  }
  func.func @transform_11(%arg0: i32) -> (i32, i32) {
    %c0_i32 = arith.constant 0 : i32
    %c0_i32_0 = arith.constant 0 : i32
    return %arg0, %c0_i32 : i32, i32
  }
}

</mosaic_0001>

<sc_bundles>
// kernel: kernel.4.cloned.1.call-start
scs
__scs_entry_jumppad:
0x0: {  	(pc) =	sbr.rel $0x88, $3  }
0x1: {  	(tag) =	ssettag $0x0;
	lr =	simm.s32 $0x1  }
0x2: {  	[smem:$0x3F96] =	sst lr;
	_ =	strace $0xD0000000  }
0x3: {  	_ = 	snop  }
0x4: {  	_ = 	snop  }
0x5: {  	_ = 	snop  }
0x6: {  	_ = 	snop  }
0x7: {  	_ = 	snop  }
__scs_overlays_trampoline_lowered:
0x8: {  	[smem:$0x3FA5] =	sst s0  }
0x9: {  	[smem:$0x3FA6] =	sst s1  }
0xa: {  	[smem:$0x3FA7] =	sst s2  }
0xb: {  	[smem:$0x3FA8] =	sst s3  }
0xc: {  	[smem:$0x3FA9] =	sst s4  }
0xd: {  	[smem:$0x3FAA] =	sst s5  }
0xe: {  	[smem:$0x3FAB] =	sst s6  }
0xf: {  	[smem:$0x3FAC] =	sst s7  }
0x10: {  	[smem:$0x3FAD] =	sst s8  }
0x11: {  	[smem:$0x3FAE] =	sst s9;
	s0 =	simm.s32 @!p0 $0x0  }
0x12: {  	s1 =	sld [smem:$0x3F94];
	s0 =	simm.s32 @p0 $0x1  }
0x13: {  	[smem:$0x3FAF] =	sst s0;
	s0 =	simm.s32 @!p1 $0x0  }
0x14: {  	s2 =	sld [smem:$0x3F93];
	s0 =	simm.s32 @p1 $0x1  }
0x15: {  	[smem:$0x3FB0] =	sst s0;
	s0 =	simm.s32 @!p2 $0x0  }
0x16: {  	s3 =	sld [smem:$0x3FDB];
	s0 =	simm.s32 @p2 $0x1  }
0x17: {  	s4 =	simm.s32 $0x1BF5;
	[smem:$0x3FB2] =	sst s0  }
0x18: {  	s0 =	sld [smem:$0x3F95];
	_ =	swait.ge [sflag:s4], $0x0  }
0x19: {  	s7 =	sld [smem:$0x3F96]  }
0x1a: {  	s8 =	sadd.s32 $0xFFFFE003, lr  }
0x1b: {  	s9 =	sadd.s32 $0xFFFFFEF7, lr;
	s5 =	simm.s32 $0xFFFFFFFF;
	p2 =	slt.u32 s8, $0xFFFFF086  }
0x1c: {  	p1 =	slt.u32 s9, $0xF7A;
	s5 =	simm.s32 @!p2 $0x0  }
0x1d: {  	s5 =	simm.s32 @p1 $0x1;
	p0 =	seq.s32 s7, s2  }
0x1e: {  	s7 =	smul.u32 @!p0 $0xF7A, s2;
	p2 =	seq.s32 @!p0 s5, $0x0  }
0x1f: {  	s9 =	smul.u32 $0xF7A, s1;
	s8 =	simm.s32 @!p0 $0x1BF5;
	p2 =	por !p2, p0  }
0x20: {  	[sflag:s8] =	ssyncset.s32 @!p0 $0xFFFFF086;
	s6 =	sadd.s32 @!p0 s3, s7;
	s7 =	simm.s32 @!p0 $0x108  }
0x21: {  	s3 =	sadd.s32 s3, s9;
	s6 =	sadd.s32 @!p0 $0x88, s6;
	s7 =	simm.s32 @p2 $0x1082  }
0x22: {  	[simem:s7], [sflag:s8] =	dma.local @!p0 [hbm:s6], $0xF7A  }
0x23: {  	s9 =	sor.u32 $0xD0000000, s2;
	s6 =	simm.s32 $0x108;
	_ =	swait.ge @!p0 [sflag:s8], $0x0  }
0x24: {  	s3 =	sadd.s32 $0x88, s3;
	s6 =	simm.s32 @!p1 $0x1082;
	[sflag:s4] =	ssyncset.s32 $0xFFFFF086  }
0x25: {  	[simem:s6], [sflag:s4] =	dma.local [hbm:s3], $0xF7A  }
0x26: {  	[smem:$0x3F96] =	sst s1;
	(tag) =	ssettag s2;
	_ =	strace s9  }
0x27: {  	s1 =	sld [smem:$0x3FA6]  }
0x28: {  	s2 =	sld [smem:$0x3FA7]  }
0x29: {  	s4 =	sld [smem:$0x3FA9]  }
0x2a: {  	p0 =	seq.s32 s5, $0x0;
	s5 =	sld [smem:$0x3FAA]  }
0x2b: {  	s6 =	sld [smem:$0x3FAB]  }
0x2c: {  	s7 =	sld [smem:$0x3FAC]  }
0x2d: {  	s3 =	simm.s32 $0x108;
	s8 =	sld [smem:$0x3FAD]  }
0x2e: {  	s3 =	simm.s32 @!p0 $0x1082;
	s9 =	sld [smem:$0x3FAE]  }
0x2f: {  	lr =	sadd.s32 s0, s3;
	s0 =	sld [smem:$0x3FA5]  }
0x30: {  	s3 =	sld [smem:$0x3FA8]  }
0x31: {  	[smem:$0x3FB1] =	sst s10  }
0x32: {  	s10 =	sld [smem:$0x3FAF];
	_ =	sdelay $0x3  }
0x33: {  	p0 =	seq.s32 s10, $0x1;
	s10 =	sld [smem:$0x3FB1];
	_ =	sdelay $0x3  }
0x34: {  	[smem:$0x3FB1] =	sst s10  }
0x35: {  	s10 =	sld [smem:$0x3FB0];
	_ =	sdelay $0x3  }
0x36: {  	p1 =	seq.s32 s10, $0x1;
	s10 =	sld [smem:$0x3FB1];
	_ =	sdelay $0x3  }
0x37: {  	[smem:$0x3FB1] =	sst s10  }
0x38: {  	s10 =	sld [smem:$0x3FB2]  }
0x39: {  	_ = 	snop;
	(pc) =	sbr.ind lr, $3  }
0x3a: {  	_ = 	snop  }
0x3b: {  	_ = 	snop  }
0x3c: {  	p2 =	seq.s32 s10, $0x1;
	s10 =	sld [smem:$0x3FB1]  }
0x3d: {  	_ =	shalt  }
0x3e: {  	_ =	shalt  }
0x3f: {  	_ =	shalt  }
0x40: {  	_ =	shalt  }
0x41: {  	_ =	shalt  }
0x42: {  	_ =	shalt  }
0x43: {  	_ =	shalt  }
0x44: {  	_ =	shalt  }
0x45: {  	_ =	shalt  }
0x46: {  	_ =	shalt  }
0x47: {  	_ =	shalt  }
0x48: {  	_ =	shalt  }
0x49: {  	_ =	shalt  }
0x4a: {  	_ =	shalt  }
0x4b: {  	_ =	shalt  }
0x4c: {  	_ =	shalt  }
0x4d: {  	_ =	shalt  }
0x4e: {  	_ =	shalt  }
0x4f: {  	_ =	shalt  }
0x50: {  	_ =	shalt  }
0x51: {  	_ =	shalt  }
0x52: {  	_ =	shalt  }
0x53: {  	_ =	shalt  }
0x54: {  	_ =	shalt  }
0x55: {  	_ =	shalt  }
0x56: {  	_ =	shalt  }
0x57: {  	_ =	shalt  }
0x58: {  	_ =	shalt  }
0x59: {  	_ =	shalt  }
0x5a: {  	_ =	shalt  }
0x5b: {  	_ =	shalt  }
0x5c: {  	_ =	shalt  }
0x5d: {  	_ =	shalt  }
0x5e: {  	_ =	shalt  }
0x5f: {  	_ =	shalt  }
0x60: {  	_ =	shalt  }
0x61: {  	_ =	shalt  }
0x62: {  	_ =	shalt  }
0x63: {  	_ =	shalt  }
0x64: {  	_ =	shalt  }
0x65: {  	_ =	shalt  }
0x66: {  	_ =	shalt  }
0x67: {  	_ =	shalt  }
0x68: {  	_ =	shalt  }
0x69: {  	_ =	shalt  }
0x6a: {  	_ =	shalt  }
0x6b: {  	_ =	shalt  }
0x6c: {  	_ =	shalt  }
0x6d: {  	_ =	shalt  }
0x6e: {  	_ =	shalt  }
0x6f: {  	_ =	shalt  }
0x70: {  	_ =	shalt  }
0x71: {  	_ =	shalt  }
0x72: {  	_ =	shalt  }
0x73: {  	_ =	shalt  }
0x74: {  	_ =	shalt  }
0x75: {  	_ =	shalt  }
0x76: {  	_ =	shalt  }
0x77: {  	_ =	shalt  }
0x78: {  	_ =	shalt  }
0x79: {  	_ =	shalt  }
0x7a: {  	_ =	shalt  }
0x7b: {  	_ =	shalt  }
0x7c: {  	_ =	shalt  }
0x7d: {  	_ =	shalt  }
0x7e: {  	_ =	shalt  }
0x7f: {  	_ =	shalt  }
0x80: {  	_ =	shalt  }
0x81: {  	_ =	shalt  }
0x82: {  	_ =	shalt  }
0x83: {  	_ =	shalt  }
0x84: {  	_ =	shalt  }
0x85: {  	_ =	shalt  }
0x86: {  	_ =	shalt  }
0x87: {  	_ =	shalt  }
.Lfunc_end0:
.L_simem_size_0:
called_computation_lowered:
.L_overlay_start_0:
0x88: {  	s2 =	sld [smem:$0x3FD9]  }
0x89: {  	s3 =	sld [smem:$0x3FFE];
	_ =	sdelay $0x1  }
0x8a: {  	s1 =	srdreg.scid  }
0x8b: {  	s0 =	sand.u32 $0x1, s1  }
0x8c: {  	s16 =	sshll.u32 s0, $0xA;
	s2 =	sadd.s32 s3, s2  }
0x8d: {  	s2 =	sadd.s32 s2, s16  }
0x8e: {  	[smem:$0x3FBD] =	sst s2  }
0x8f: {  	_ = 	snop  }
0x90: {  	(tm) =	ssettm $0x1  }
0x91: {  	s17 =	sld [smem:$0x3FFB];
	_ =	sdelay $0x3  }
0x92: {  	_ =	strace s17  }
0x93: {  	s2 =	sld [smem:$0x3FFC];
	_ =	sdelay $0x3  }
0x94: {  	_ =	strace s2  }
0x95: {  	s2 =	sld [smem:$0x3FFD];
	_ =	sdelay $0x3  }
0x96: {  	_ =	strace s2  }
0x97: {  	_ =	strace $0x8FFFFFFF  }
0x98: {  	s18 =	sld [smem:$0x3FDB];
	_ =	sdelay $0x1  }
0x99: {  	s19 =	simm.s32 $_scs_section_size  }
0x9a: {  	s4 =	simm.s32 $_size__tile_overlayer_lowered;
	s5 =	simm.s32 $_tile_overlayer_lowered  }
0x9b: {  	s22 =	simm.s32 $0x1BFF;
	s21 =	sshll.u32 s5, $0x1;
	s2 =	sadd.s32 s19, s18  }
0x9c: {  	s6 =	simm.s32 $0x0;
	s20 =	sshll.u32 s4, $0x1;
	s4 =	sadd.s32 s21, s2  }
0x9d: {  	[timem:s6], [sflag:s22] =	dma.local [hbm:s4], s20  }
0x9e: {  	_ =	swait.ge [sflag:s22], s20  }
0x9f: {  	s3 =	ssub.s32 $0x0, s20;
	[sflag:s22] =	ssyncset.done $0x0  }
0xa0: {  	[sflag:s22] =	ssyncadd.s32 s3;
	_ =	sdelay $0x1  }
0xa1: {  	s23 =	simm.s32 $0x1B8B  }
0xa2: {  	_ =	swait.ge [sflag:s23], $0x1  }
0xa3: {  	[sflag:s23] =	ssyncset.done $0x0  }
0xa4: {  	s25 =	simm.s32 $0x1B8E;
	s24 =	sld [smem:$0x3FFE];
	[sflag:s23] =	ssyncadd.s32 $0xFFFFFFFF  }
0xa5: {  	s26 =	simm.s32 $execute0_lowered;
	[smem:$0x3FD2] =	sst s25  }
0xa6: {  	s4 =	sshll.u32 s26, $0x1;
	_ =	strace $0x80000046;
	[dreg:$0x1] =	wrdreg $0xFFFFFFFF  }
0xa7: {  	s28 =	simm.s32 $_size_execute0_lowered;
	s2 =	sadd.s32 s2, s4;
	[dreg:$0x0] =	wrdreg $0x0  }
0xa8: {  	s4 =	sshll.u32 s28, $0x1;
	[dreg:$0x2] =	wrdreg s2  }
0xa9: {  	[dreg:$0x3] =	wrdreg s4  }
0xaa: {  	[dreg:$0x4] =	wrdreg $0xC0  }
0xab: {  	_ =	task [dreg:s6], $0x5FFFF  }
0xac: {  	[dreg:$0x1] =	wrdreg $0xFFFFFFFF  }
0xad: {  	[dreg:$0x0] =	wrdreg $0x60  }
0xae: {  	[dreg:$0x2] =	wrdreg s24  }
0xaf: {  	[dreg:$0x3] =	wrdreg $0x9  }
0xb0: {  	_ =	task.clear_ibuf [dreg:s6], $0x4FFFF;
	_ =	strace $0x90000046  }
0xb1: {  	s29 =	simm.s32 $0x9;
	_ =	strace $0x80000048  }
0xb2: {  	_ =	swait.ge [sflag:s29], $0x1  }
0xb3: {  	[sflag:s29] =	ssyncadd.s32 $0xFFFFFFFF  }
0xb4: {  	_ =	strace $0x90000048  }
0xb5: {  	_ =	sfence  }
0xb6: {  	s30 =	sld [smem:$0x0];
	_ =	sdelay $0x2  }
0xb7: {  	s31 =	sshll.u32 s1, $0xD;
	s1 =	sshrl.u32 s1, $0x2  }
0xb8: {  	s3 =	sand.u32 $0x4000, s31;
	s1 =	sadd.s32 s1, s30  }
0xb9: {  	s0 =	sor.u32 s3, s0;
	s1 =	sshll.u32 s1, $0x11  }
0xba: {  	s0 =	sor.u32 s1, s0  }
0xbb: {  	s0 =	sadd.s32 $0x8F2B, s0  }
0xbc: {  	[sflag:s0] =	ssyncadd.remote.s32 $0x1  }
0xbd: {  	_ =	sfence.sel $0xFFFF  }
0xbe: {  	[dreg:$0x0] =	wrdreg $0xFFFFFFFF;
	(pc) =	sbr.abs _section_cstart, $3  }
0xbf: {  	[dreg:$0x1] =	wrdreg $0xFFFFFFFF  }
0xc0: {  	_ =	task.clear_ibuf [dreg:s6], $0x2FFFF;
	_ =	strace $0x9FFFFFFF  }
0xc1: {  	(tm) =	ssettm $0x7FFFFFFF  }
tec
execute0_lowered:
.L_overlay_start_1:
0x0: {  	(tag) =	ssettag $0x1  }
0x1: {  	s0 =	rddreg [dreg:$0x0];
	s2 =	simm.s32 $0x0  }
0x2: {  	s1 =	srdreg.scid;
	s9 =	stileid.u32;
	s12 =	simm.s32 $0x3  }
0x3: {  	s13 =	simm.s32 $0x80;
	s14 =	simm.s32 $0x3400;
	s15 =	simm.s32 $0x3C00  }
0x4: {  	s17 =	simm.s32 $0x4400;
	s19 =	simm.s32 $0x4C00;
	s20 =	simm.s32 $0x5400  }
0x5: {  	s21 =	simm.s32 $0x5C00;
	s22 =	simm.s32 $0x6400;
	s23 =	simm.s32 $0x6C00  }
0x6: {  	s24 =	simm.s32 $0x1;
	s30 =	simm.s32 $0x2;
	s31 =	simm.s32 $0x7400  }
0x7: {  	s1 =	sand.u32 $0x1, s1;
	s3 =	sshll.u32 s9, $0x1;
	s9 =	smul.u32 $0x68000, s9  }
0x8: {  	s5 =	sor.u32 s1, s3;
	s7 =	ssub.s32 $0x2, s1;
	s1 =	smul.u32 $0x34000, s1  }
0x9: {  	[smem:$0x7FF] =	sst s2;
	s4 =	sadd.s32 $0xF400, s0;
	s6 =	smul.u32 $0x680, s5  }
0xa: {  	s11 =	sadd.s32 $0x5EA00, s0;
	s8 =	smul.u32 $0x34000, s5;
	s26 =	sshrl.u32 s7, $0x1  }
0xb: {  	_ =	strace $0x80000047;
	s3 =	sadd.s32 $0x27AE800, s0;
	s7 =	ssub.s32 s7, s26  }
0xc: {  	s1 =	sadd.s32 s1, s9;
	s0 =	sadd.s32 s6, s0;
	s28 =	sshrl.u32 s8, $0x3  }
0xd: {  	s7 =	smax.u32 s7, $0x1;
	s10 =	sshrl.u32 s1, $0x3;
	s1 =	sor.u32 $0x2000, s1  }
0xe: {  	s5 =	sadd.s32 $0x2400, s0;
	s6 =	sadd.s32 $0x12EA00, s0;
	s0 =	sadd.s32 s11, s28  }
0xf: {  	s10 =	sadd.s32 s10, s11;
	s29 =	sshrl.u32 s1, $0x3;
	s8 =	sadd.s32 $0x6000, s0  }
0x10: {  	s9 =	sadd.s32 $0x6400, s0;
	s11 =	sadd.s32 s29, s11;
	s0 =	simm.s32 $0x0  }
.LBB2_1:
0x11: {  	[tilespmem:s2], [sflag:$0x3] =	stream.linear.gather [hbm4b:s5+s2], $0x3400, $0x38;
	[tilespmem:$0xA800] =	vst v63  }
0x12: {  	_ =	swait.ge [sflag:s12], $0x3400  }
0x13: {  	[sflag:s12] =	ssyncset.done $0x0  }
0x14: {  	s1 =	simm.s32 $0x0;
	s16 =	simm.s32 $0x7400;
	[sflag:s12] =	ssyncadd.s32 $0xFFFFCC00  }
0x15: {  	[tilespmem:s16], [sflag:$0x2] =	stream.indirect.gather [hbm4b:s4+s13], $0x1, s1, s13, $0xb8;
	[tilespmem:$0xA800] =	vst v63  }
0x16: {  	s18 =	simm.s32 $0x80;
	s16 =	simm.s32 $0x7480  }
0x17: {  	[tilespmem:s16], [sflag:$0x2] =	stream.indirect.gather [hbm4b:s4+s13], $0x1, s18, s13, $0xb8;
	[tilespmem:$0xA800] =	vst v63  }
0x18: {  	s25 =	simm.s32 $0x7500;
	s26 =	simm.s32 $0x100  }
0x19: {  	[tilespmem:s25], [sflag:$0x2] =	stream.indirect.gather [hbm4b:s4+s13], $0x1, s26, s13, $0xb8;
	[tilespmem:$0xA800] =	vst v63  }
0x1a: {  	s28 =	simm.s32 $0x7580;
	s29 =	simm.s32 $0x180;
	s1 =	simm.s32 $0x400  }
0x1b: {  	[tilespmem:s28], [sflag:$0x2] =	stream.indirect.gather [hbm4b:s4+s13], $0x1, s29, s13, $0xb8;
	[tilespmem:$0xA800] =	vst v63  }
0x1c: {  	s16 =	simm.s32 $0x7600;
	s18 =	simm.s32 $0x200;
	s25 =	simm.s32 $0x7680  }
0x1d: {  	[tilespmem:s16], [sflag:$0x2] =	stream.indirect.gather [hbm4b:s4+s13], $0x1, s18, s13, $0xb8;
	[tilespmem:$0xA800] =	vst v63  }
0x1e: {  	s26 =	simm.s32 $0x280;
	s28 =	simm.s32 $0x7700;
	s29 =	simm.s32 $0x300  }
0x1f: {  	[tilespmem:s25], [sflag:$0x2] =	stream.indirect.gather [hbm4b:s4+s13], $0x1, s26, s13, $0xb8;
	[tilespmem:$0xA800] =	vst v63  }
0x20: {  	s16 =	simm.s32 $0x2000;
	s18 =	simm.s32 $0x7780;
	s25 =	simm.s32 $0x380  }
0x21: {  	[tilespmem:s28], [sflag:$0x2] =	stream.indirect.gather [hbm4b:s4+s13], $0x1, s29, s13, $0xb8;
	[tilespmem:$0xA800] =	vst v63  }
.LBB2_2:
0x22: {  	[tilespmem:s18], [sflag:$0x2] =	stream.indirect.gather [hbm4b:s4+s13], $0x1, s25, s13, $0xb8;
	[tilespmem:$0xA800] =	vst v63  }
0x23: {  	s18 =	smov.u32 s16  }
0x24: {  	s28 =	sadd.s32 $0x1000, s16;
	s26 =	sshra.s32 s18, $0x2;
	s18 =	sadd.s32 $0x7400, s1  }
0x25: {  	[tilespmem:s18], [sflag:$0x2] =	stream.indirect.gather [hbm4b:s4+s13], $0x1, s1, s13, $0xb8;
	[tilespmem:$0xA800] =	vst v63  }
0x26: {  	p0 =	sne.s32 s16, $0xC000;
	s16 =	sadd.s32 $0x7480, s1;
	s18 =	sadd.s32 $0x80, s1  }
0x27: {  	[tilespmem:s16], [sflag:$0x2] =	stream.indirect.gather [hbm4b:s4+s13], $0x1, s18, s13, $0xb8;
	[tilespmem:$0xA800] =	vst v63  }
0x28: {  	s16 =	sadd.s32 $0x7500, s1;
	s18 =	sadd.s32 $0x100, s1  }
0x29: {  	[tilespmem:s16], [sflag:$0x2] =	stream.indirect.gather [hbm4b:s4+s13], $0x1, s18, s13, $0xb8;
	[tilespmem:$0xA800] =	vst v63  }
0x2a: {  	s16 =	sadd.s32 $0x7580, s1;
	s18 =	sadd.s32 $0x180, s1  }
0x2b: {  	[tilespmem:s16], [sflag:$0x2] =	stream.indirect.gather [hbm4b:s4+s13], $0x1, s18, s13, $0xb8;
	[tilespmem:$0xA800] =	vst v63  }
0x2c: {  	s16 =	sadd.s32 $0x7600, s1;
	s18 =	sadd.s32 $0x200, s1  }
0x2d: {  	[tilespmem:s16], [sflag:$0x2] =	stream.indirect.gather [hbm4b:s4+s13], $0x1, s18, s13, $0xb8;
	[tilespmem:$0xA800] =	vst v63  }
.Ltmp0:
0x2e: {  	s16 =	sadd.s32 $0x7680, s1;
	s18 =	sadd.s32 $0x280, s1;
	(pc) =	sbr.rel @p0 .LBB2_2-.Ltmp0, $4  }
0x2f: {  	[tilespmem:s16], [sflag:$0x2] =	stream.indirect.gather [hbm4b:s4+s13], $0x1, s18, s13, $0xb8;
	[tilespmem:$0xA800] =	vst v63  }
0x30: {  	s25 =	sadd.s32 $0x380, s1;
	s16 =	sadd.s32 $0x7700, s1;
	s18 =	sadd.s32 $0x300, s1  }
0x31: {  	[tilespmem:s16], [sflag:$0x2] =	stream.indirect.gather [hbm4b:s4+s13], $0x1, s18, s13, $0xb8;
	[tilespmem:$0xA800] =	vst v63  }
0x32: {  	s18 =	sadd.s32 $0x7780, s1;
	s1 =	smov.u32 s26;
	s16 =	smov.u32 s28  }
0x33: {  	[tilespmem:s18], [sflag:$0x2] =	stream.indirect.gather [hbm4b:s4+s13], $0x1, s25, s13, $0xb8;
	[tilespmem:$0xA800] =	vst v63  }
0x34: {  	s16 =	sadd.s32 $0x7400, s1  }
0x35: {  	[tilespmem:s16], [sflag:$0x2] =	stream.indirect.gather [hbm4b:s4+s13], $0x1, s1, s13, $0xb8;
	[tilespmem:$0xA800] =	vst v63  }
0x36: {  	s28 =	sadd.s32 $0x7480, s1;
	s29 =	sadd.s32 $0x80, s1  }
0x37: {  	[tilespmem:s28], [sflag:$0x2] =	stream.indirect.gather [hbm4b:s4+s13], $0x1, s29, s13, $0xb8;
	[tilespmem:$0xA800] =	vst v63  }
0x38: {  	s25 =	sadd.s32 $0x7500, s1;
	s26 =	sadd.s32 $0x100, s1  }
0x39: {  	[tilespmem:s25], [sflag:$0x2] =	stream.indirect.gather [hbm4b:s4+s13], $0x1, s26, s13, $0xb8;
	[tilespmem:$0xA800] =	vst v63  }
0x3a: {  	s28 =	sadd.s32 $0x7580, s1;
	s29 =	sadd.s32 $0x180, s1  }
0x3b: {  	[tilespmem:s28], [sflag:$0x2] =	stream.indirect.gather [hbm4b:s4+s13], $0x1, s29, s13, $0xb8;
	[tilespmem:$0xA800] =	vst v63  }
0x3c: {  	s25 =	sadd.s32 $0x7600, s1;
	s26 =	sadd.s32 $0x200, s1  }
0x3d: {  	[tilespmem:s25], [sflag:$0x2] =	stream.indirect.gather [hbm4b:s4+s13], $0x1, s26, s13, $0xb8;
	[tilespmem:$0xA800] =	vst v63  }
0x3e: {  	s28 =	sadd.s32 $0x7680, s1;
	s29 =	sadd.s32 $0x280, s1  }
0x3f: {  	[tilespmem:s28], [sflag:$0x2] =	stream.indirect.gather [hbm4b:s4+s13], $0x1, s29, s13, $0xb8;
	[tilespmem:$0xA800] =	vst v63  }
0x40: {  	s25 =	sadd.s32 $0x7700, s1;
	s26 =	sadd.s32 $0x300, s1  }
0x41: {  	[tilespmem:s25], [sflag:$0x2] =	stream.indirect.gather [hbm4b:s4+s13], $0x1, s26, s13, $0xb8;
	[tilespmem:$0xA800] =	vst v63  }
0x42: {  	s28 =	sadd.s32 $0x7780, s1;
	s29 =	sadd.s32 $0x380, s1  }
0x43: {  	[tilespmem:s28], [sflag:$0x2] =	stream.indirect.gather [hbm4b:s4+s13], $0x1, s29, s13, $0xb8;
	[tilespmem:$0xA800] =	vst v63  }
0x44: {  	s18 =	simm.s32 $0x0  }
0x45: {  	[tilespmem:s14], [sflag:$0x1] =	stream.indirect.gather [hbm4b:s3+s13], $0x10, s18, s13, $0xb8;
	[tilespmem:$0xA800] =	vst v63  }
0x46: {  	_ = 	snop  }
0x47: {  	[tilespmem:s15], [sflag:$0x1] =	stream.indirect.gather [hbm4b:s3+s13], $0x10, s13, s13, $0xb8;
	[tilespmem:$0xA800] =	vst v63  }
0x48: {  	s25 =	simm.s32 $0x100  }
0x49: {  	[tilespmem:s17], [sflag:$0x1] =	stream.indirect.gather [hbm4b:s3+s13], $0x10, s25, s13, $0xb8;
	[tilespmem:$0xA800] =	vst v63  }
0x4a: {  	s26 =	simm.s32 $0x180  }
0x4b: {  	[tilespmem:s19], [sflag:$0x1] =	stream.indirect.gather [hbm4b:s3+s13], $0x10, s26, s13, $0xb8;
	[tilespmem:$0xA800] =	vst v63  }
0x4c: {  	s28 =	simm.s32 $0x200  }
0x4d: {  	[tilespmem:s20], [sflag:$0x1] =	stream.indirect.gather [hbm4b:s3+s13], $0x10, s28, s13, $0xb8;
	[tilespmem:$0xA800] =	vst v63  }
0x4e: {  	s29 =	simm.s32 $0x280  }
0x4f: {  	[tilespmem:s21], [sflag:$0x1] =	stream.indirect.gather [hbm4b:s3+s13], $0x10, s29, s13, $0xb8;
	[tilespmem:$0xA800] =	vst v63  }
0x50: {  	s16 =	simm.s32 $0x300  }
0x51: {  	[tilespmem:s22], [sflag:$0x1] =	stream.indirect.gather [hbm4b:s3+s13], $0x10, s16, s13, $0xb8;
	[tilespmem:$0xA800] =	vst v63  }
0x52: {  	s18 =	simm.s32 $0x380  }
0x53: {  	[tilespmem:s23], [sflag:$0x1] =	stream.indirect.gather [hbm4b:s3+s13], $0x10, s18, s13, $0xb8;
	[tilespmem:$0xA800] =	vst v63  }
0x54: {  	_ =	swait.ge [sflag:s24], $0x800  }
0x55: {  	[sflag:s24] =	ssyncset.done $0x0  }
0x56: {  	[sflag:s24] =	ssyncadd.s32 $0xFFFFF800  }
0x57: {  	_ =	swait.ge [sflag:s24], $0x800  }
0x58: {  	[sflag:s24] =	ssyncset.done $0x0  }
0x59: {  	[sflag:s24] =	ssyncadd.s32 $0xFFFFF800  }
0x5a: {  	_ =	swait.ge [sflag:s24], $0x800  }
0x5b: {  	[sflag:s24] =	ssyncset.done $0x0  }
0x5c: {  	[sflag:s24] =	ssyncadd.s32 $0xFFFFF800  }
0x5d: {  	_ =	swait.ge [sflag:s24], $0x800  }
0x5e: {  	[sflag:s24] =	ssyncset.done $0x0  }
0x5f: {  	[sflag:s24] =	ssyncadd.s32 $0xFFFFF800  }
0x60: {  	[hbm4b:s10+s2] =	stream.linear.scatter [tilespmem:s14], [sflag:$0x3], $0x2000, $0x38;
	[tilespmem:$0xA800] =	vst v63  }
0x61: {  	_ =	swait.ge [sflag:s12], $0x2000  }
0x62: {  	[sflag:s12] =	ssyncset.done $0x0  }
0x63: {  	s25 =	simm.s32 $0x400;
	[sflag:s12] =	ssyncadd.s32 $0xFFFFE000  }
0x64: {  	[tilespmem:s14], [sflag:$0x1] =	stream.indirect.gather [hbm4b:s3+s13], $0x10, s25, s13, $0xb8;
	[tilespmem:$0xA800] =	vst v63  }
0x65: {  	s26 =	simm.s32 $0x480  }
0x66: {  	[tilespmem:s15], [sflag:$0x1] =	stream.indirect.gather [hbm4b:s3+s13], $0x10, s26, s13, $0xb8;
	[tilespmem:$0xA800] =	vst v63  }
0x67: {  	s28 =	simm.s32 $0x500  }
0x68: {  	[tilespmem:s17], [sflag:$0x1] =	stream.indirect.gather [hbm4b:s3+s13], $0x10, s28, s13, $0xb8;
	[tilespmem:$0xA800] =	vst v63  }
0x69: {  	s29 =	simm.s32 $0x580  }
0x6a: {  	[tilespmem:s19], [sflag:$0x1] =	stream.indirect.gather [hbm4b:s3+s13], $0x10, s29, s13, $0xb8;
	[tilespmem:$0xA800] =	vst v63  }
0x6b: {  	_ =	swait.ge [sflag:s24], $0x800  }
0x6c: {  	[sflag:s24] =	ssyncset.done $0x0  }
0x6d: {  	[sflag:s24] =	ssyncadd.s32 $0xFFFFF800  }
0x6e: {  	_ =	swait.ge [sflag:s24], $0x800  }
0x6f: {  	[sflag:s24] =	ssyncset.done $0x0  }
0x70: {  	[sflag:s24] =	ssyncadd.s32 $0xFFFFF800  }
0x71: {  	_ =	swait.ge [sflag:s24], $0x800  }
0x72: {  	[sflag:s24] =	ssyncset.done $0x0  }
0x73: {  	[sflag:s24] =	ssyncadd.s32 $0xFFFFF800  }
0x74: {  	_ =	swait.ge [sflag:s24], $0x800  }
0x75: {  	[sflag:s24] =	ssyncset.done $0x0  }
0x76: {  	[sflag:s24] =	ssyncadd.s32 $0xFFFFF800  }
0x77: {  	[hbm4b:s11+s2] =	stream.linear.scatter [tilespmem:s20], [sflag:$0x3], $0x2000, $0x38;
	[tilespmem:$0xA800] =	vst v63  }
0x78: {  	s1 =	sadd.s32 $0x800, s11;
	s16 =	sadd.s32 $0x800, s10;
	_ =	swait.ge [sflag:s12], $0x2000  }
0x79: {  	s18 =	simm.s32 $0x400;
	s25 =	simm.s32 $0x2000;
	[sflag:s12] =	ssyncset.done $0x0  }
.LBB2_4:
0x7a: {  	s29 =	sadd.s32 $0x200, s18  }
0x7b: {  	[sflag:s12] =	ssyncadd.s32 $0xFFFFE000;
	s26 =	smov.u32 s25;
	s28 =	sadd.s32 $0x1000, s25  }
0x7c: {  	[tilespmem:s20], [sflag:$0x1] =	stream.indirect.gather [hbm4b:s3+s13], $0x10, s29, s13, $0xb8;
	[tilespmem:$0xA800] =	vst v63  }
0x7d: {  	p0 =	sne.s32 s25, $0xB000;
	s25 =	sadd.s32 $0x280, s18  }
0x7e: {  	[tilespmem:s21], [sflag:$0x1] =	stream.indirect.gather [hbm4b:s3+s13], $0x10, s25, s13, $0xb8;
	[tilespmem:$0xA800] =	vst v63  }
0x7f: {  	s25 =	sadd.s32 $0x300, s18  }
0x80: {  	[tilespmem:s22], [sflag:$0x1] =	stream.indirect.gather [hbm4b:s3+s13], $0x10, s25, s13, $0xb8;
	[tilespmem:$0xA800] =	vst v63  }
0x81: {  	s25 =	sadd.s32 $0x380, s18  }
0x82: {  	[tilespmem:s23], [sflag:$0x1] =	stream.indirect.gather [hbm4b:s3+s13], $0x10, s25, s13, $0xb8;
	[tilespmem:$0xA800] =	vst v63  }
0x83: {  	_ =	swait.ge [sflag:s24], $0x800  }
0x84: {  	[sflag:s24] =	ssyncset.done $0x0  }
0x85: {  	[sflag:s24] =	ssyncadd.s32 $0xFFFFF800  }
0x86: {  	_ =	swait.ge [sflag:s24], $0x800  }
0x87: {  	[sflag:s24] =	ssyncset.done $0x0  }
0x88: {  	[sflag:s24] =	ssyncadd.s32 $0xFFFFF800  }
0x89: {  	_ =	swait.ge [sflag:s24], $0x800  }
0x8a: {  	[sflag:s24] =	ssyncset.done $0x0  }
0x8b: {  	[sflag:s24] =	ssyncadd.s32 $0xFFFFF800  }
0x8c: {  	_ =	swait.ge [sflag:s24], $0x800  }
0x8d: {  	[sflag:s24] =	ssyncset.done $0x0  }
0x8e: {  	[sflag:s24] =	ssyncadd.s32 $0xFFFFF800  }
0x8f: {  	[hbm4b:s16+s2] =	stream.linear.scatter [tilespmem:s14], [sflag:$0x3], $0x2000, $0x38;
	[tilespmem:$0xA800] =	vst v63  }
0x90: {  	_ =	swait.ge [sflag:s12], $0x2000  }
0x91: {  	[sflag:s12] =	ssyncset.done $0x0  }
0x92: {  	s25 =	sadd.s32 $0x400, s18;
	[sflag:s12] =	ssyncadd.s32 $0xFFFFE000  }
0x93: {  	[tilespmem:s14], [sflag:$0x1] =	stream.indirect.gather [hbm4b:s3+s13], $0x10, s25, s13, $0xb8;
	[tilespmem:$0xA800] =	vst v63  }
0x94: {  	s25 =	sadd.s32 $0x480, s18  }
0x95: {  	[tilespmem:s15], [sflag:$0x1] =	stream.indirect.gather [hbm4b:s3+s13], $0x10, s25, s13, $0xb8;
	[tilespmem:$0xA800] =	vst v63  }
0x96: {  	s25 =	sadd.s32 $0x500, s18  }
0x97: {  	[tilespmem:s17], [sflag:$0x1] =	stream.indirect.gather [hbm4b:s3+s13], $0x10, s25, s13, $0xb8;
	[tilespmem:$0xA800] =	vst v63  }
0x98: {  	s18 =	sadd.s32 $0x580, s18  }
0x99: {  	[tilespmem:s19], [sflag:$0x1] =	stream.indirect.gather [hbm4b:s3+s13], $0x10, s18, s13, $0xb8;
	[tilespmem:$0xA800] =	vst v63  }
0x9a: {  	_ =	swait.ge [sflag:s24], $0x800  }
0x9b: {  	[sflag:s24] =	ssyncset.done $0x0  }
0x9c: {  	[sflag:s24] =	ssyncadd.s32 $0xFFFFF800  }
0x9d: {  	_ =	swait.ge [sflag:s24], $0x800  }
0x9e: {  	[sflag:s24] =	ssyncset.done $0x0  }
0x9f: {  	[sflag:s24] =	ssyncadd.s32 $0xFFFFF800  }
0xa0: {  	_ =	swait.ge [sflag:s24], $0x800  }
0xa1: {  	[sflag:s24] =	ssyncset.done $0x0  }
0xa2: {  	[sflag:s24] =	ssyncadd.s32 $0xFFFFF800  }
0xa3: {  	_ =	swait.ge [sflag:s24], $0x800  }
.Ltmp1:
0xa4: {  	[sflag:s24] =	ssyncset.done $0x0;
	(pc) =	sbr.rel @p0 .LBB2_4-.Ltmp1, $4  }
0xa5: {  	[sflag:s24] =	ssyncadd.s32 $0xFFFFF800  }
0xa6: {  	[hbm4b:s1+s2] =	stream.linear.scatter [tilespmem:s20], [sflag:$0x3], $0x2000, $0x38;
	[tilespmem:$0xA800] =	vst v63  }
0xa7: {  	s16 =	sadd.s32 $0x800, s16;
	s1 =	sadd.s32 $0x800, s1;
	_ =	swait.ge [sflag:s12], $0x2000  }
0xa8: {  	s25 =	smov.u32 s28;
	s18 =	sshra.s32 s26, $0x2;
	[sflag:s12] =	ssyncset.done $0x0  }
0xa9: {  	s25 =	sadd.s32 $0x200, s18;
	[sflag:s12] =	ssyncadd.s32 $0xFFFFE000  }
0xaa: {  	[tilespmem:s20], [sflag:$0x1] =	stream.indirect.gather [hbm4b:s3+s13], $0x10, s25, s13, $0xb8;
	[tilespmem:$0xA800] =	vst v63  }
0xab: {  	s26 =	sadd.s32 $0x280, s18  }
0xac: {  	[tilespmem:s21], [sflag:$0x1] =	stream.indirect.gather [hbm4b:s3+s13], $0x10, s26, s13, $0xb8;
	[tilespmem:$0xA800] =	vst v63  }
0xad: {  	s28 =	sadd.s32 $0x300, s18  }
0xae: {  	[tilespmem:s22], [sflag:$0x1] =	stream.indirect.gather [hbm4b:s3+s13], $0x10, s28, s13, $0xb8;
	[tilespmem:$0xA800] =	vst v63  }
0xaf: {  	s29 =	sadd.s32 $0x380, s18  }
0xb0: {  	[tilespmem:s23], [sflag:$0x1] =	stream.indirect.gather [hbm4b:s3+s13], $0x10, s29, s13, $0xb8;
	[tilespmem:$0xA800] =	vst v63  }
0xb1: {  	_ =	swait.ge [sflag:s24], $0x800  }
0xb2: {  	[sflag:s24] =	ssyncset.done $0x0  }
0xb3: {  	[sflag:s24] =	ssyncadd.s32 $0xFFFFF800  }
0xb4: {  	_ =	swait.ge [sflag:s24], $0x800  }
0xb5: {  	[sflag:s24] =	ssyncset.done $0x0  }
0xb6: {  	[sflag:s24] =	ssyncadd.s32 $0xFFFFF800  }
0xb7: {  	_ =	swait.ge [sflag:s24], $0x800  }
0xb8: {  	[sflag:s24] =	ssyncset.done $0x0  }
0xb9: {  	[sflag:s24] =	ssyncadd.s32 $0xFFFFF800  }
0xba: {  	_ =	swait.ge [sflag:s24], $0x800  }
0xbb: {  	[sflag:s24] =	ssyncset.done $0x0  }
0xbc: {  	[sflag:s24] =	ssyncadd.s32 $0xFFFFF800  }
0xbd: {  	[hbm4b:s16+s2] =	stream.linear.scatter [tilespmem:s14], [sflag:$0x3], $0x2000, $0x38;
	[tilespmem:$0xA800] =	vst v63  }
0xbe: {  	_ =	swait.ge [sflag:s12], $0x2000  }
0xbf: {  	[sflag:s12] =	ssyncset.done $0x0  }
0xc0: {  	s26 =	sadd.s32 $0x400, s18;
	[sflag:s12] =	ssyncadd.s32 $0xFFFFE000  }
0xc1: {  	[tilespmem:s14], [sflag:$0x1] =	stream.indirect.gather [hbm4b:s3+s13], $0x10, s26, s13, $0xb8;
	[tilespmem:$0xA800] =	vst v63  }
0xc2: {  	s28 =	sadd.s32 $0x480, s18  }
0xc3: {  	[tilespmem:s15], [sflag:$0x1] =	stream.indirect.gather [hbm4b:s3+s13], $0x10, s28, s13, $0xb8;
	[tilespmem:$0xA800] =	vst v63  }
0xc4: {  	s29 =	sadd.s32 $0x500, s18  }
0xc5: {  	[tilespmem:s17], [sflag:$0x1] =	stream.indirect.gather [hbm4b:s3+s13], $0x10, s29, s13, $0xb8;
	[tilespmem:$0xA800] =	vst v63  }
0xc6: {  	s18 =	sadd.s32 $0x580, s18  }
0xc7: {  	[tilespmem:s19], [sflag:$0x1] =	stream.indirect.gather [hbm4b:s3+s13], $0x10, s18, s13, $0xb8;
	[tilespmem:$0xA800] =	vst v63  }
0xc8: {  	_ =	swait.ge [sflag:s24], $0x800  }
0xc9: {  	[sflag:s24] =	ssyncset.done $0x0  }
0xca: {  	[sflag:s24] =	ssyncadd.s32 $0xFFFFF800  }
0xcb: {  	_ =	swait.ge [sflag:s24], $0x800  }
0xcc: {  	[sflag:s24] =	ssyncset.done $0x0  }
0xcd: {  	[sflag:s24] =	ssyncadd.s32 $0xFFFFF800  }
0xce: {  	_ =	swait.ge [sflag:s24], $0x800  }
0xcf: {  	[sflag:s24] =	ssyncset.done $0x0  }
0xd0: {  	[sflag:s24] =	ssyncadd.s32 $0xFFFFF800  }
0xd1: {  	_ =	swait.ge [sflag:s24], $0x800  }
0xd2: {  	[sflag:s24] =	ssyncset.done $0x0  }
0xd3: {  	[sflag:s24] =	ssyncadd.s32 $0xFFFFF800  }
0xd4: {  	[hbm4b:s1+s2] =	stream.linear.scatter [tilespmem:s20], [sflag:$0x3], $0x2000, $0x38;
	[tilespmem:$0xA800] =	vst v63  }
0xd5: {  	_ =	swait.ge [sflag:s12], $0x2000  }
0xd6: {  	[sflag:s12] =	ssyncset.done $0x0  }
0xd7: {  	s25 =	simm.s32 $0x3200;
	[sflag:s12] =	ssyncadd.s32 $0xFFFFE000  }
0xd8: {  	[tilespmem:s20], [sflag:$0x1] =	stream.indirect.gather [hbm4b:s3+s13], $0x10, s25, s13, $0xb8;
	[tilespmem:$0xA800] =	vst v63  }
0xd9: {  	s26 =	simm.s32 $0x3280  }
0xda: {  	[tilespmem:s21], [sflag:$0x1] =	stream.indirect.gather [hbm4b:s3+s13], $0x10, s26, s13, $0xb8;
	[tilespmem:$0xA800] =	vst v63  }
0xdb: {  	s28 =	simm.s32 $0x3300  }
0xdc: {  	[tilespmem:s22], [sflag:$0x1] =	stream.indirect.gather [hbm4b:s3+s13], $0x10, s28, s13, $0xb8;
	[tilespmem:$0xA800] =	vst v63  }
0xdd: {  	s29 =	simm.s32 $0x3380  }
0xde: {  	[tilespmem:s23], [sflag:$0x1] =	stream.indirect.gather [hbm4b:s3+s13], $0x10, s29, s13, $0xb8;
	[tilespmem:$0xA800] =	vst v63  }
0xdf: {  	_ =	swait.ge [sflag:s24], $0x800  }
0xe0: {  	[sflag:s24] =	ssyncset.done $0x0  }
0xe1: {  	[sflag:s24] =	ssyncadd.s32 $0xFFFFF800  }
0xe2: {  	_ =	swait.ge [sflag:s24], $0x800  }
0xe3: {  	[sflag:s24] =	ssyncset.done $0x0  }
0xe4: {  	[sflag:s24] =	ssyncadd.s32 $0xFFFFF800  }
0xe5: {  	_ =	swait.ge [sflag:s24], $0x800  }
0xe6: {  	[sflag:s24] =	ssyncset.done $0x0  }
0xe7: {  	[sflag:s24] =	ssyncadd.s32 $0xFFFFF800  }
0xe8: {  	_ =	swait.ge [sflag:s24], $0x800  }
0xe9: {  	[sflag:s24] =	ssyncset.done $0x0  }
0xea: {  	[sflag:s24] =	ssyncadd.s32 $0xFFFFF800  }
0xeb: {  	[hbm4b:s8+s2] =	stream.linear.scatter [tilespmem:s14], [sflag:$0x3], $0x2000, $0x38;
	[tilespmem:$0xA800] =	vst v63  }
0xec: {  	_ =	swait.ge [sflag:s12], $0x2000  }
0xed: {  	[sflag:s12] =	ssyncset.done $0x0  }
0xee: {  	[sflag:s12] =	ssyncadd.s32 $0xFFFFE000  }
0xef: {  	_ =	swait.ge [sflag:s24], $0x800  }
0xf0: {  	[sflag:s24] =	ssyncset.done $0x0  }
0xf1: {  	[sflag:s24] =	ssyncadd.s32 $0xFFFFF800  }
0xf2: {  	_ =	swait.ge [sflag:s24], $0x800  }
0xf3: {  	[sflag:s24] =	ssyncset.done $0x0  }
0xf4: {  	[sflag:s24] =	ssyncadd.s32 $0xFFFFF800  }
0xf5: {  	_ =	swait.ge [sflag:s24], $0x800  }
0xf6: {  	[sflag:s24] =	ssyncset.done $0x0  }
0xf7: {  	[sflag:s24] =	ssyncadd.s32 $0xFFFFF800  }
0xf8: {  	_ =	swait.ge [sflag:s24], $0x800  }
0xf9: {  	[sflag:s24] =	ssyncset.done $0x0  }
0xfa: {  	[sflag:s24] =	ssyncadd.s32 $0xFFFFF800  }
0xfb: {  	[hbm4b:s9+s2] =	stream.linear.scatter [tilespmem:s20], [sflag:$0x3], $0x2000, $0x38;
	[tilespmem:$0xA800] =	vst v63  }
0xfc: {  	_ =	swait.ge [sflag:s12], $0x2000  }
0xfd: {  	[sflag:s12] =	ssyncset.done $0x0  }
0xfe: {  	[sflag:s12] =	ssyncadd.s32 $0xFFFFE000  }
0xff: {  	_ =	swait.ge [sflag:s30], $0x80  }
0x100: {  	[sflag:s30] =	ssyncset.done $0x0  }
0x101: {  	[sflag:s30] =	ssyncadd.s32 $0xFFFFFF80  }
0x102: {  	_ =	swait.ge [sflag:s30], $0x80  }
0x103: {  	[sflag:s30] =	ssyncset.done $0x0  }
0x104: {  	[sflag:s30] =	ssyncadd.s32 $0xFFFFFF80  }
0x105: {  	_ =	swait.ge [sflag:s30], $0x80  }
0x106: {  	[sflag:s30] =	ssyncset.done $0x0  }
0x107: {  	[sflag:s30] =	ssyncadd.s32 $0xFFFFFF80  }
0x108: {  	_ =	swait.ge [sflag:s30], $0x80  }
0x109: {  	[sflag:s30] =	ssyncset.done $0x0  }
0x10a: {  	[sflag:s30] =	ssyncadd.s32 $0xFFFFFF80  }
0x10b: {  	_ =	swait.ge [sflag:s30], $0x80  }
0x10c: {  	[sflag:s30] =	ssyncset.done $0x0  }
0x10d: {  	[sflag:s30] =	ssyncadd.s32 $0xFFFFFF80  }
0x10e: {  	_ =	swait.ge [sflag:s30], $0x80  }
0x10f: {  	[sflag:s30] =	ssyncset.done $0x0  }
0x110: {  	[sflag:s30] =	ssyncadd.s32 $0xFFFFFF80  }
0x111: {  	_ =	swait.ge [sflag:s30], $0x80  }
0x112: {  	[sflag:s30] =	ssyncset.done $0x0  }
0x113: {  	[sflag:s30] =	ssyncadd.s32 $0xFFFFFF80  }
0x114: {  	_ =	swait.ge [sflag:s30], $0x80  }
0x115: {  	s1 =	simm.s32 $0xC;
	[sflag:s30] =	ssyncset.done $0x0  }
.LBB2_6:
0x116: {  	p0 =	sne.s32 s1, $0x1;
	s1 =	sadd.s32 $0xFFFFFFFF, s1;
	[sflag:s30] =	ssyncadd.s32 $0xFFFFFF80  }
0x117: {  	_ =	swait.ge [sflag:s30], $0x80  }
0x118: {  	[sflag:s30] =	ssyncset.done $0x0  }
0x119: {  	[sflag:s30] =	ssyncadd.s32 $0xFFFFFF80  }
0x11a: {  	_ =	swait.ge [sflag:s30], $0x80  }
0x11b: {  	[sflag:s30] =	ssyncset.done $0x0  }
0x11c: {  	[sflag:s30] =	ssyncadd.s32 $0xFFFFFF80  }
0x11d: {  	_ =	swait.ge [sflag:s30], $0x80  }
0x11e: {  	[sflag:s30] =	ssyncset.done $0x0  }
0x11f: {  	[sflag:s30] =	ssyncadd.s32 $0xFFFFFF80  }
0x120: {  	_ =	swait.ge [sflag:s30], $0x80  }
0x121: {  	[sflag:s30] =	ssyncset.done $0x0  }
0x122: {  	[sflag:s30] =	ssyncadd.s32 $0xFFFFFF80  }
0x123: {  	_ =	swait.ge [sflag:s30], $0x80  }
0x124: {  	[sflag:s30] =	ssyncset.done $0x0  }
0x125: {  	[sflag:s30] =	ssyncadd.s32 $0xFFFFFF80  }
0x126: {  	_ =	swait.ge [sflag:s30], $0x80  }
0x127: {  	[sflag:s30] =	ssyncset.done $0x0  }
0x128: {  	[sflag:s30] =	ssyncadd.s32 $0xFFFFFF80  }
.Ltmp2:
0x129: {  	_ =	swait.ge [sflag:s30], $0x80;
	(pc) =	sbr.rel @p0 .LBB2_6-.Ltmp2, $4  }
0x12a: {  	[sflag:s30] =	ssyncset.done $0x0  }
0x12b: {  	[sflag:s30] =	ssyncadd.s32 $0xFFFFFF80  }
0x12c: {  	_ =	swait.ge [sflag:s30], $0x80  }
0x12d: {  	[sflag:s30] =	ssyncset.done $0x0  }
0x12e: {  	s0 =	sadd.s32 $0x1, s0  }
0x12f: {  	p0 =	sne.s32 s0, s7  }
.Ltmp3:
0x130: {  	[sflag:s30] =	ssyncadd.s32 $0xFFFFFF80;
	(pc) =	sbr.rel @p0 .LBB2_1-.Ltmp3, $4  }
0x131: {  	[hbm4b:s6+s2] =	stream.linear.scatter [tilespmem:s31], [sflag:$0x3], $0x3400, $0x38;
	[tilespmem:$0xA800] =	vst v63  }
0x132: {  	_ =	swait.ge [sflag:s12], $0x3400  }
0x133: {  	[sflag:s12] =	ssyncset.done $0x0  }
0x134: {  	[sflag:s12] =	ssyncadd.s32 $0xFFFFCC00  }
0x135: {  	_ =	sfence.sel $0x180000  }
0x136: {  	[bflag:$0x0] =	sbarrier.arrive $0xFFFF  }
0x137: {  	_ =	strace $0x90000047  }
0x138: {  	s0 =	stileid.u32;
	[bflag:$0x2] =	sbarrier.arrive $0xFFFF  }
0x139: {  	p0 =	sne.s32 s0, $0x0;
	s0 =	rddreg [dreg:$0x1]  }
0x13a: {  	s0 =	sadd.s32 @!p0 $0x100000, s0  }
0x13b: {  	[sflag:s0] =	ssyncadd.tile.s32 @!p0 $0x1;
	_ =	shalt  }
.Lfunc_end2:
_tile_overlayer_lowered:
.L_overlay_start_2:
0x13c: {  	(tag) =	ssettag $0x2  }
0x13d: {  	s0 =	rddreg [dreg:$0x0];
	s2 =	stileid.u32  }
0x13e: {  	s1 =	rddreg [dreg:$0x1];
	p0 =	sne.s32 s2, $0x0  }
0x13f: {  	s3 =	rddreg [dreg:$0x2];
	[bflag:$0x3] =	sbarrier.arrive $0xFFFF;
	s2 =	simm.s32 @!p0 $0x1C03  }
0x140: {  	[timem:s3], [sflag:s2] =	dma.local @!p0 [hbm:s0], s1  }
0x141: {  	s0 =	simm.s32 @!p0 $0x3  }
0x142: {  	_ =	swait.ge @!p0 [sflag:s0], s1  }
0x143: {  	s1 =	ssub.s32 @!p0 $0x0, s1;
	[sflag:s0] =	ssyncset.done @!p0 $0x0  }
0x144: {  	[sflag:s0] =	ssyncadd.s32 @!p0 s1  }
0x145: {  	[bflag:$0x3] =	sbarrier.arrive $0xFFFF  }
0x146: {  	_ =	shalt  }

</sc_bundles>
